<compile_context>
chip_gen: v7x
topology: tpu7x:2x2x1
jax: 0.10.2.dev20260603
libtpu: 0.0.44.dev20260713+nightly
codegen_flags: <defaults>
</compile_context>

<pallas_src>
import functools

import jax
import jax.numpy as jnp
from jax import lax
from jax.experimental import pallas as pl
from jax.experimental.pallas import tpu as pltpu
from jax.experimental.pallas import tpu_sc as plsc

B = 16384
DIM = 32
PACK = 4
LINE = PACK * DIM


def _sc_gather4(qu, qi, p_umf, p_imf, p_umlp, p_imlp):
    info = plsc.get_sparse_core_info()
    NC, NS = info.num_cores, info.num_subcores
    NW = NC * NS
    b_per_w = B // NW
    mesh = plsc.VectorSubcoreMesh(core_axis_name="c", subcore_axis_name="s")

    @functools.partial(
        pl.kernel,
        mesh=mesh,
        compiler_params=pltpu.CompilerParams(skip_device_barrier=True),
        out_type=[jax.ShapeDtypeStruct((B, LINE), jnp.float32)] * 4,
        scratch_types=[
            pltpu.VMEM((b_per_w,), jnp.int32),
            pltpu.VMEM((b_per_w,), jnp.int32),
            pltpu.VMEM((b_per_w, LINE), jnp.float32),
            pltpu.SemaphoreType.DMA,
        ],
    )
    def gather_k(qu_h, qi_h, t_umf, t_imf, t_umlp, t_imlp,
                 o_umf, o_imf, o_umlp, o_imlp, qu_v, qi_v, buf_v, sem):
        wid = lax.axis_index("s") * NC + lax.axis_index("c")
        base = wid * b_per_w
        sl = pl.ds(base, b_per_w)
        pltpu.sync_copy(qu_h.at[sl], qu_v)
        pltpu.sync_copy(qi_h.at[sl], qi_v)

        def one_table(q_v, tbl_h, out_h):
            for k in range(b_per_w // 128):
                pltpu.async_copy(
                    tbl_h.at[q_v.at[pl.ds(k * 128, 128)]],
                    buf_v.at[pl.ds(k * 128, 128)],
                    sem,
                )
            pltpu.make_async_copy(tbl_h.at[pl.ds(0, b_per_w)], buf_v,
                                  sem).wait()
            pltpu.sync_copy(buf_v, out_h.at[sl])

        one_table(qu_v, t_umf, o_umf)
        one_table(qi_v, t_imf, o_imf)
        one_table(qu_v, t_umlp, o_umlp)
        one_table(qi_v, t_imlp, o_imlp)

    return gather_k(qu, qi, p_umf, p_imf, p_umlp, p_imlp)


def _tc_dense(g_umf, g_imf, g_umlp, g_imlp, fu, fi, W1a, W1b, b1, W2, b2,
              W3, b3, W4, b4, Wp_mf, Wp_h, bp):

    def unpack(x_r, onehot):
        acc = x_r[:, 0:DIM] * onehot[:, 0:1]
        for c in range(1, PACK):
            acc += x_r[:, c * DIM:(c + 1) * DIM] * onehot[:, c:c + 1]
        return acc

    def body(g_umf_r, g_imf_r, g_umlp_r, g_imlp_r, fu_r, fi_r, w1a_r,
             w1b_r, b1_r, w2_r, b2_r, w3_r, b3_r, w4_r, b4_r, wpm_r,
             wph_r, bp_r, o_r):
        f32 = jnp.float32
        cids = lax.broadcasted_iota(jnp.int32, (1, PACK), 1)
        oh_u = (fu_r[...] == cids).astype(f32)
        oh_i = (fi_r[...] == cids).astype(f32)
        u_mlp = unpack(g_umlp_r[...], oh_u)
        i_mlp = unpack(g_imlp_r[...], oh_i)
        h = jax.nn.relu(
            jnp.dot(u_mlp, w1a_r[...], preferred_element_type=f32)
            + jnp.dot(i_mlp, w1b_r[...], preferred_element_type=f32)
            + b1_r[...])
        h = jax.nn.relu(
            jnp.dot(h, w2_r[...], preferred_element_type=f32) + b2_r[...])
        h = jax.nn.relu(
            jnp.dot(h, w3_r[...], preferred_element_type=f32) + b3_r[...])
        h = jax.nn.relu(
            jnp.dot(h, w4_r[...], preferred_element_type=f32) + b4_r[...])
        mf = unpack(g_umf_r[...], oh_u) * unpack(g_imf_r[...], oh_i)
        o_r[...] = (
            jnp.dot(mf, wpm_r[...], preferred_element_type=f32)
            + jnp.dot(h, wph_r[...], preferred_element_type=f32)
            + bp_r[...])

    nblk = 8
    bb = B // nblk
    row_spec = pl.BlockSpec((bb, LINE), lambda i: (i, 0))
    one_spec = pl.BlockSpec((bb, 1), lambda i: (i, 0))
    full = lambda *shape: pl.BlockSpec(shape, lambda i: (0,) * len(shape))
    return pl.pallas_call(
        body,
        grid=(nblk,),
        in_specs=[row_spec, row_spec, row_spec, row_spec, one_spec, one_spec,
                  full(DIM, DIM), full(DIM, DIM), full(1, DIM),
                  full(DIM, DIM), full(1, DIM),
                  full(DIM, 16), full(1, 16),
                  full(16, 8), full(1, 8),
                  full(DIM, 1), full(8, 1), full(1, 1)],
        out_specs=one_spec,
        out_shape=jax.ShapeDtypeStruct((B, 1), jnp.float32),
    )(g_umf, g_imf, g_umlp, g_imlp, fu, fi, W1a, W1b, b1, W2, b2, W3, b3,
      W4, b4, Wp_mf, Wp_h, bp)


def kernel(user, item, ue_mf, ie_mf, ue_mlp, ie_mlp, W1, b1, W2, b2, W3, b3,
           W4, b4, Wp, bp):
    user = user.astype(jnp.int32)
    item = item.astype(jnp.int32)
    qu, fu = user >> 2, (user & 3).reshape(B, 1)
    qi, fi = item >> 2, (item & 3).reshape(B, 1)
    p_shape = (ue_mf.shape[0] // PACK, LINE)
    one = (bp[0] * 0.0 + 1.0).astype(jnp.float32)
    g_umf, g_imf, g_umlp, g_imlp = _sc_gather4(
        qu, qi, ue_mf.reshape(p_shape) * one, ie_mf.reshape(p_shape) * one,
        ue_mlp.reshape(p_shape) * one, ie_mlp.reshape(p_shape) * one)
    W1a, W1b = W1[:DIM], W1[DIM:]
    Wp_mf, Wp_h = Wp[:DIM], Wp[DIM:]
    return _tc_dense(g_umf, g_imf, g_umlp, g_imlp, fu, fi, W1a, W1b,
                     b1.reshape(1, -1), W2, b2.reshape(1, -1),
                     W3, b3.reshape(1, -1), W4, b4.reshape(1, -1),
                     Wp_mf, Wp_h, bp.reshape(1, 1))

# --- scband reference (transcript-rebuilt; emitter-appended) ---
"""Pipeline reference for scband-ncf-34213709480103 (READ-ONLY COPY).

The authoritative reference and input builder live on the scoring server;
editing this copy changes nothing except your own understanding.
"""

import jax, jax.numpy as jnp
import numpy as np

NUM_USERS = 1000000
NUM_ITEMS = 1000000
DIM_MF = 32
DIM_MLP = 32
B = 16384


def setup_inputs(seed: int = 0) -> dict:
    key = jax.random.key(seed)
    ks = jax.random.split(key, 18)
    user = jax.random.randint(ks[0], (B,), 0, NUM_USERS, dtype=jnp.int64) if jax.config.jax_enable_x64 else jax.random.randint(ks[0], (B,), 0, NUM_USERS, dtype=jnp.int32)
    item = jax.random.randint(ks[1], (B,), 0, NUM_ITEMS, dtype=user.dtype)
    ue_mf = jax.random.normal(ks[2], (NUM_USERS, DIM_MF), dtype=jnp.float32) * 0.01
    ie_mf = jax.random.normal(ks[3], (NUM_ITEMS, DIM_MF), dtype=jnp.float32) * 0.01
    ue_mlp = jax.random.normal(ks[4], (NUM_USERS, DIM_MLP), dtype=jnp.float32) * 0.01
    ie_mlp = jax.random.normal(ks[5], (NUM_ITEMS, DIM_MLP), dtype=jnp.float32) * 0.01
    W1 = jax.random.normal(ks[6], (64, 32), dtype=jnp.float32) * (1.0 / np.sqrt(64))
    b1 = jnp.zeros((32,), dtype=jnp.float32)
    W2 = jax.random.normal(ks[7], (32, 32), dtype=jnp.float32) * (1.0 / np.sqrt(32))
    b2 = jnp.zeros((32,), dtype=jnp.float32)
    W3 = jax.random.normal(ks[8], (32, 16), dtype=jnp.float32) * (1.0 / np.sqrt(32))
    b3 = jnp.zeros((16,), dtype=jnp.float32)
    W4 = jax.random.normal(ks[9], (16, 8), dtype=jnp.float32) * (1.0 / np.sqrt(16))
    b4 = jnp.zeros((8,), dtype=jnp.float32)
    Wp = jax.random.normal(ks[10], (40, 1), dtype=jnp.float32) * (1.0 / np.sqrt(40))
    bp = jnp.zeros((1,), dtype=jnp.float32)
    return {
        'user': user, 'item': item,
        'ue_mf': ue_mf, 'ie_mf': ie_mf, 'ue_mlp': ue_mlp, 'ie_mlp': ie_mlp,
        'W1': W1, 'b1': b1, 'W2': W2, 'b2': b2, 'W3': W3, 'b3': b3,
        'W4': W4, 'b4': b4, 'Wp': Wp, 'bp': bp,
    }


def reference(user, item, ue_mf, ie_mf, ue_mlp, ie_mlp, W1, b1, W2, b2, W3, b3, W4, b4, Wp, bp):
    # Embedding lookups (SparseCore gathers)
    user_vec_mf = jnp.take(ue_mf, user, axis=0)
    item_vec_mf = jnp.take(ie_mf, item, axis=0)
    user_vec_mlp = jnp.take(ue_mlp, user, axis=0)
    item_vec_mlp = jnp.take(ie_mlp, item, axis=0)
    # GMF branch: elementwise product
    layer_mf = user_vec_mf * item_vec_mf
    # MLP branch (dropout is identity in eval/inference)
    x = jnp.concatenate([user_vec_mlp, item_vec_mlp], axis=-1)
    h = jax.nn.relu(x @ W1 + b1)
    h = jax.nn.relu(h @ W2 + b2)
    h = jax.nn.relu(h @ W3 + b3)
    h = jax.nn.relu(h @ W4 + b4)
    layer_concat = jnp.concatenate([layer_mf, h], axis=-1)
    output = layer_concat @ Wp + bp
    return output

if __name__ == "__main__":
    import jax
    _d = setup_inputs()
    print(jax.jit(kernel)(*tuple(_d.values())))

</pallas_src>

<mosaic_0001>
#map = affine_map<(d0, d1) -> (0)>
#map1 = affine_map<(d0, d1) -> (0, 0)>
module attributes {stable_mosaic.version = 14 : i64} {
  func.func @gather_k(%arg0: i32, %arg1: i32, %arg2: memref<16384xi32, #tpu.memory_space<hbm>>, %arg3: memref<16384xi32, #tpu.memory_space<hbm>>, %arg4: memref<250000x128xf32, #tpu.memory_space<hbm>>, %arg5: memref<250000x128xf32, #tpu.memory_space<hbm>>, %arg6: memref<250000x128xf32, #tpu.memory_space<hbm>>, %arg7: memref<250000x128xf32, #tpu.memory_space<hbm>>, %arg8: memref<16384x128xf32, #tpu.memory_space<hbm>>, %arg9: memref<16384x128xf32, #tpu.memory_space<hbm>>, %arg10: memref<16384x128xf32, #tpu.memory_space<hbm>>, %arg11: memref<16384x128xf32, #tpu.memory_space<hbm>>, %arg12: memref<512xi32, #tpu.memory_space<vmem>>, %arg13: memref<512xi32, #tpu.memory_space<vmem>>, %arg14: memref<512x128xf32, #tpu.memory_space<vmem>>, %arg15: memref<!tpu.dma_semaphore, #tpu.memory_space<semaphore_mem>>) attributes {dimension_semantics = [#tpu.dimension_semantics<core_parallel>, #tpu.dimension_semantics<subcore_parallel>], iteration_bounds = array<i64: 2, 16>, scalar_prefetch = 0 : i64, scratch_operands = 4 : i64, tpu.core_type = #tpu.core_type<sc_vector_subcore>, window_params = [{transform_indices = #map}, {transform_indices = #map}, {transform_indices = #map1}, {transform_indices = #map1}, {transform_indices = #map1}, {transform_indices = #map1}, {transform_indices = #map1}, {transform_indices = #map1}, {transform_indices = #map1}, {transform_indices = #map1}]} {
    %mul3A = arith.constant 2 : i32
    %mul3A_0 = arith.muli %arg1, %mul3A : i32
    %add3A = arith.addi %mul3A_0, %arg0 : i32
    %mul3A_1 = arith.constant 512 : i32
    %mul3A_2 = arith.muli %add3A, %mul3A_1 : i32
    "tpu.region"() ({
      %run_scoped3A = tpu.sem_alloc : memref<!tpu.dma_semaphore, #tpu.memory_space<semaphore_mem>>
      %dma_start3A_153 = tpu.memref_slice %arg2[%mul3A_2] : memref<16384xi32, #tpu.memory_space<hbm>> -> memref<512xi32, #tpu.memory_space<hbm>>
      %dma_start3A_154 = tpu.memref_slice %arg2[%mul3A_2] : memref<16384xi32, #tpu.memory_space<hbm>> -> memref<512xi32, #tpu.memory_space<hbm>>
      tpu.enqueue_dma source(%dma_start3A_154 : memref<512xi32, #tpu.memory_space<hbm>>) target(%arg12 : memref<512xi32, #tpu.memory_space<vmem>>) target_semaphore(%run_scoped3A : memref<!tpu.dma_semaphore, #tpu.memory_space<semaphore_mem>>)
      %dma_wait3A_155 = tpu.memref_slice %arg2[%mul3A_2] : memref<16384xi32, #tpu.memory_space<hbm>> -> memref<512xi32, #tpu.memory_space<hbm>>
      %dma_wait3A_156 = tpu.memref_slice %arg2[%mul3A_2] : memref<16384xi32, #tpu.memory_space<hbm>> -> memref<512xi32, #tpu.memory_space<hbm>>
      tpu.wait_dma2 semaphore(%run_scoped3A : memref<!tpu.dma_semaphore, #tpu.memory_space<semaphore_mem>>) src(%dma_wait3A_156 : memref<512xi32, #tpu.memory_space<hbm>>) dst(%arg12 : memref<512xi32, #tpu.memory_space<vmem>>)
      tpu.yield
    }) : () -> ()
    "tpu.region"() ({
      %run_scoped3A = tpu.sem_alloc : memref<!tpu.dma_semaphore, #tpu.memory_space<semaphore_mem>>
      %dma_start3A_153 = tpu.memref_slice %arg3[%mul3A_2] : memref<16384xi32, #tpu.memory_space<hbm>> -> memref<512xi32, #tpu.memory_space<hbm>>
      %dma_start3A_154 = tpu.memref_slice %arg3[%mul3A_2] : memref<16384xi32, #tpu.memory_space<hbm>> -> memref<512xi32, #tpu.memory_space<hbm>>
      tpu.enqueue_dma source(%dma_start3A_154 : memref<512xi32, #tpu.memory_space<hbm>>) target(%arg13 : memref<512xi32, #tpu.memory_space<vmem>>) target_semaphore(%run_scoped3A : memref<!tpu.dma_semaphore, #tpu.memory_space<semaphore_mem>>)
      %dma_wait3A_155 = tpu.memref_slice %arg3[%mul3A_2] : memref<16384xi32, #tpu.memory_space<hbm>> -> memref<512xi32, #tpu.memory_space<hbm>>
      %dma_wait3A_156 = tpu.memref_slice %arg3[%mul3A_2] : memref<16384xi32, #tpu.memory_space<hbm>> -> memref<512xi32, #tpu.memory_space<hbm>>
      tpu.wait_dma2 semaphore(%run_scoped3A : memref<!tpu.dma_semaphore, #tpu.memory_space<semaphore_mem>>) src(%dma_wait3A_156 : memref<512xi32, #tpu.memory_space<hbm>>) dst(%arg13 : memref<512xi32, #tpu.memory_space<vmem>>)
      tpu.yield
    }) : () -> ()
    %dma_start3A = arith.constant 0 : i32
    %dma_start3A_3 = arith.constant 0 : i32
    %dma_start3A_4 = tpu.memref_slice %arg14[%dma_start3A, %dma_start3A_3] : memref<512x128xf32, #tpu.memory_space<vmem>> -> memref<128x128xf32, #tpu.memory_space<vmem>>
    %dma_start3A_5 = arith.constant 0 : i32
    %dma_start3A_6 = tpu.memref_slice %arg12[%dma_start3A_5] : memref<512xi32, #tpu.memory_space<vmem>> -> memref<128xi32, #tpu.memory_space<vmem>>
    %dma_start3A_7 = arith.constant 0 : i32
    %dma_start3A_8 = arith.constant 0 : i32
    %dma_start3A_9 = tpu.memref_slice %arg4[%dma_start3A_7, %dma_start3A_8] : memref<250000x128xf32, #tpu.memory_space<hbm>> -> memref<250000x128xf32, #tpu.memory_space<hbm>>
    tpu.enqueue_indirect_dma source(%dma_start3A_9 : memref<250000x128xf32, #tpu.memory_space<hbm>>) target(%dma_start3A_4 : memref<128x128xf32, #tpu.memory_space<vmem>>) offsets(%dma_start3A_6 : memref<128xi32, #tpu.memory_space<vmem>>) semaphore(%arg15 : memref<!tpu.dma_semaphore, #tpu.memory_space<semaphore_mem>>)
    %dma_start3A_10 = arith.constant 128 : i32
    %dma_start3A_11 = arith.constant 0 : i32
    %dma_start3A_12 = tpu.memref_slice %arg14[%dma_start3A_10, %dma_start3A_11] : memref<512x128xf32, #tpu.memory_space<vmem>> -> memref<128x128xf32, #tpu.memory_space<vmem>>
    %dma_start3A_13 = arith.constant 128 : i32
    %dma_start3A_14 = tpu.memref_slice %arg12[%dma_start3A_13] : memref<512xi32, #tpu.memory_space<vmem>> -> memref<128xi32, #tpu.memory_space<vmem>>
    %dma_start3A_15 = arith.constant 0 : i32
    %dma_start3A_16 = arith.constant 0 : i32
    %dma_start3A_17 = tpu.memref_slice %arg4[%dma_start3A_15, %dma_start3A_16] : memref<250000x128xf32, #tpu.memory_space<hbm>> -> memref<250000x128xf32, #tpu.memory_space<hbm>>
    tpu.enqueue_indirect_dma source(%dma_start3A_17 : memref<250000x128xf32, #tpu.memory_space<hbm>>) target(%dma_start3A_12 : memref<128x128xf32, #tpu.memory_space<vmem>>) offsets(%dma_start3A_14 : memref<128xi32, #tpu.memory_space<vmem>>) semaphore(%arg15 : memref<!tpu.dma_semaphore, #tpu.memory_space<semaphore_mem>>)
    %dma_start3A_18 = arith.constant 256 : i32
    %dma_start3A_19 = arith.constant 0 : i32
    %dma_start3A_20 = tpu.memref_slice %arg14[%dma_start3A_18, %dma_start3A_19] : memref<512x128xf32, #tpu.memory_space<vmem>> -> memref<128x128xf32, #tpu.memory_space<vmem>>
    %dma_start3A_21 = arith.constant 256 : i32
    %dma_start3A_22 = tpu.memref_slice %arg12[%dma_start3A_21] : memref<512xi32, #tpu.memory_space<vmem>> -> memref<128xi32, #tpu.memory_space<vmem>>
    %dma_start3A_23 = arith.constant 0 : i32
    %dma_start3A_24 = arith.constant 0 : i32
    %dma_start3A_25 = tpu.memref_slice %arg4[%dma_start3A_23, %dma_start3A_24] : memref<250000x128xf32, #tpu.memory_space<hbm>> -> memref<250000x128xf32, #tpu.memory_space<hbm>>
    tpu.enqueue_indirect_dma source(%dma_start3A_25 : memref<250000x128xf32, #tpu.memory_space<hbm>>) target(%dma_start3A_20 : memref<128x128xf32, #tpu.memory_space<vmem>>) offsets(%dma_start3A_22 : memref<128xi32, #tpu.memory_space<vmem>>) semaphore(%arg15 : memref<!tpu.dma_semaphore, #tpu.memory_space<semaphore_mem>>)
    %dma_start3A_26 = arith.constant 384 : i32
    %dma_start3A_27 = arith.constant 0 : i32
    %dma_start3A_28 = tpu.memref_slice %arg14[%dma_start3A_26, %dma_start3A_27] : memref<512x128xf32, #tpu.memory_space<vmem>> -> memref<128x128xf32, #tpu.memory_space<vmem>>
    %dma_start3A_29 = arith.constant 384 : i32
    %dma_start3A_30 = tpu.memref_slice %arg12[%dma_start3A_29] : memref<512xi32, #tpu.memory_space<vmem>> -> memref<128xi32, #tpu.memory_space<vmem>>
    %dma_start3A_31 = arith.constant 0 : i32
    %dma_start3A_32 = arith.constant 0 : i32
    %dma_start3A_33 = tpu.memref_slice %arg4[%dma_start3A_31, %dma_start3A_32] : memref<250000x128xf32, #tpu.memory_space<hbm>> -> memref<250000x128xf32, #tpu.memory_space<hbm>>
    tpu.enqueue_indirect_dma source(%dma_start3A_33 : memref<250000x128xf32, #tpu.memory_space<hbm>>) target(%dma_start3A_28 : memref<128x128xf32, #tpu.memory_space<vmem>>) offsets(%dma_start3A_30 : memref<128xi32, #tpu.memory_space<vmem>>) semaphore(%arg15 : memref<!tpu.dma_semaphore, #tpu.memory_space<semaphore_mem>>)
    %dma_wait3A = arith.constant 0 : i32
    %dma_wait3A_34 = arith.constant 0 : i32
    %dma_wait3A_35 = tpu.memref_slice %arg4[%dma_wait3A, %dma_wait3A_34] : memref<250000x128xf32, #tpu.memory_space<hbm>> -> memref<512x128xf32, #tpu.memory_space<hbm>>
    %dma_wait3A_36 = arith.constant 0 : i32
    %dma_wait3A_37 = arith.constant 0 : i32
    %dma_wait3A_38 = tpu.memref_slice %arg4[%dma_wait3A_36, %dma_wait3A_37] : memref<250000x128xf32, #tpu.memory_space<hbm>> -> memref<512x128xf32, #tpu.memory_space<hbm>>
    tpu.wait_dma2 semaphore(%arg15 : memref<!tpu.dma_semaphore, #tpu.memory_space<semaphore_mem>>) src(%dma_wait3A_38 : memref<512x128xf32, #tpu.memory_space<hbm>>) dst(%arg14 : memref<512x128xf32, #tpu.memory_space<vmem>>)
    "tpu.region"() ({
      %run_scoped3A = tpu.sem_alloc : memref<!tpu.dma_semaphore, #tpu.memory_space<semaphore_mem>>
      %dma_start3A_153 = arith.constant 0 : i32
      %dma_start3A_154 = tpu.memref_slice %arg8[%mul3A_2, %dma_start3A_153] : memref<16384x128xf32, #tpu.memory_space<hbm>> -> memref<512x128xf32, #tpu.memory_space<hbm>>
      %dma_start3A_155 = arith.constant 0 : i32
      %dma_start3A_156 = tpu.memref_slice %arg8[%mul3A_2, %dma_start3A_155] : memref<16384x128xf32, #tpu.memory_space<hbm>> -> memref<512x128xf32, #tpu.memory_space<hbm>>
      tpu.enqueue_dma source(%arg14 : memref<512x128xf32, #tpu.memory_space<vmem>>) target(%dma_start3A_156 : memref<512x128xf32, #tpu.memory_space<hbm>>) target_semaphore(%run_scoped3A : memref<!tpu.dma_semaphore, #tpu.memory_space<semaphore_mem>>)
      %dma_wait3A_157 = arith.constant 0 : i32
      %dma_wait3A_158 = tpu.memref_slice %arg8[%mul3A_2, %dma_wait3A_157] : memref<16384x128xf32, #tpu.memory_space<hbm>> -> memref<512x128xf32, #tpu.memory_space<hbm>>
      %dma_wait3A_159 = arith.constant 0 : i32
      %dma_wait3A_160 = tpu.memref_slice %arg8[%mul3A_2, %dma_wait3A_159] : memref<16384x128xf32, #tpu.memory_space<hbm>> -> memref<512x128xf32, #tpu.memory_space<hbm>>
      tpu.wait_dma2 semaphore(%run_scoped3A : memref<!tpu.dma_semaphore, #tpu.memory_space<semaphore_mem>>) src(%arg14 : memref<512x128xf32, #tpu.memory_space<vmem>>) dst(%dma_wait3A_160 : memref<512x128xf32, #tpu.memory_space<hbm>>)
      tpu.yield
    }) : () -> ()
    %dma_start3A_39 = arith.constant 0 : i32
    %dma_start3A_40 = arith.constant 0 : i32
    %dma_start3A_41 = tpu.memref_slice %arg14[%dma_start3A_39, %dma_start3A_40] : memref<512x128xf32, #tpu.memory_space<vmem>> -> memref<128x128xf32, #tpu.memory_space<vmem>>
    %dma_start3A_42 = arith.constant 0 : i32
    %dma_start3A_43 = tpu.memref_slice %arg13[%dma_start3A_42] : memref<512xi32, #tpu.memory_space<vmem>> -> memref<128xi32, #tpu.memory_space<vmem>>
    %dma_start3A_44 = arith.constant 0 : i32
    %dma_start3A_45 = arith.constant 0 : i32
    %dma_start3A_46 = tpu.memref_slice %arg5[%dma_start3A_44, %dma_start3A_45] : memref<250000x128xf32, #tpu.memory_space<hbm>> -> memref<250000x128xf32, #tpu.memory_space<hbm>>
    tpu.enqueue_indirect_dma source(%dma_start3A_46 : memref<250000x128xf32, #tpu.memory_space<hbm>>) target(%dma_start3A_41 : memref<128x128xf32, #tpu.memory_space<vmem>>) offsets(%dma_start3A_43 : memref<128xi32, #tpu.memory_space<vmem>>) semaphore(%arg15 : memref<!tpu.dma_semaphore, #tpu.memory_space<semaphore_mem>>)
    %dma_start3A_47 = arith.constant 128 : i32
    %dma_start3A_48 = arith.constant 0 : i32
    %dma_start3A_49 = tpu.memref_slice %arg14[%dma_start3A_47, %dma_start3A_48] : memref<512x128xf32, #tpu.memory_space<vmem>> -> memref<128x128xf32, #tpu.memory_space<vmem>>
    %dma_start3A_50 = arith.constant 128 : i32
    %dma_start3A_51 = tpu.memref_slice %arg13[%dma_start3A_50] : memref<512xi32, #tpu.memory_space<vmem>> -> memref<128xi32, #tpu.memory_space<vmem>>
    %dma_start3A_52 = arith.constant 0 : i32
    %dma_start3A_53 = arith.constant 0 : i32
    %dma_start3A_54 = tpu.memref_slice %arg5[%dma_start3A_52, %dma_start3A_53] : memref<250000x128xf32, #tpu.memory_space<hbm>> -> memref<250000x128xf32, #tpu.memory_space<hbm>>
    tpu.enqueue_indirect_dma source(%dma_start3A_54 : memref<250000x128xf32, #tpu.memory_space<hbm>>) target(%dma_start3A_49 : memref<128x128xf32, #tpu.memory_space<vmem>>) offsets(%dma_start3A_51 : memref<128xi32, #tpu.memory_space<vmem>>) semaphore(%arg15 : memref<!tpu.dma_semaphore, #tpu.memory_space<semaphore_mem>>)
    %dma_start3A_55 = arith.constant 256 : i32
    %dma_start3A_56 = arith.constant 0 : i32
    %dma_start3A_57 = tpu.memref_slice %arg14[%dma_start3A_55, %dma_start3A_56] : memref<512x128xf32, #tpu.memory_space<vmem>> -> memref<128x128xf32, #tpu.memory_space<vmem>>
    %dma_start3A_58 = arith.constant 256 : i32
    %dma_start3A_59 = tpu.memref_slice %arg13[%dma_start3A_58] : memref<512xi32, #tpu.memory_space<vmem>> -> memref<128xi32, #tpu.memory_space<vmem>>
    %dma_start3A_60 = arith.constant 0 : i32
    %dma_start3A_61 = arith.constant 0 : i32
    %dma_start3A_62 = tpu.memref_slice %arg5[%dma_start3A_60, %dma_start3A_61] : memref<250000x128xf32, #tpu.memory_space<hbm>> -> memref<250000x128xf32, #tpu.memory_space<hbm>>
    tpu.enqueue_indirect_dma source(%dma_start3A_62 : memref<250000x128xf32, #tpu.memory_space<hbm>>) target(%dma_start3A_57 : memref<128x128xf32, #tpu.memory_space<vmem>>) offsets(%dma_start3A_59 : memref<128xi32, #tpu.memory_space<vmem>>) semaphore(%arg15 : memref<!tpu.dma_semaphore, #tpu.memory_space<semaphore_mem>>)
    %dma_start3A_63 = arith.constant 384 : i32
    %dma_start3A_64 = arith.constant 0 : i32
    %dma_start3A_65 = tpu.memref_slice %arg14[%dma_start3A_63, %dma_start3A_64] : memref<512x128xf32, #tpu.memory_space<vmem>> -> memref<128x128xf32, #tpu.memory_space<vmem>>
    %dma_start3A_66 = arith.constant 384 : i32
    %dma_start3A_67 = tpu.memref_slice %arg13[%dma_start3A_66] : memref<512xi32, #tpu.memory_space<vmem>> -> memref<128xi32, #tpu.memory_space<vmem>>
    %dma_start3A_68 = arith.constant 0 : i32
    %dma_start3A_69 = arith.constant 0 : i32
    %dma_start3A_70 = tpu.memref_slice %arg5[%dma_start3A_68, %dma_start3A_69] : memref<250000x128xf32, #tpu.memory_space<hbm>> -> memref<250000x128xf32, #tpu.memory_space<hbm>>
    tpu.enqueue_indirect_dma source(%dma_start3A_70 : memref<250000x128xf32, #tpu.memory_space<hbm>>) target(%dma_start3A_65 : memref<128x128xf32, #tpu.memory_space<vmem>>) offsets(%dma_start3A_67 : memref<128xi32, #tpu.memory_space<vmem>>) semaphore(%arg15 : memref<!tpu.dma_semaphore, #tpu.memory_space<semaphore_mem>>)
    %dma_wait3A_71 = arith.constant 0 : i32
    %dma_wait3A_72 = arith.constant 0 : i32
    %dma_wait3A_73 = tpu.memref_slice %arg5[%dma_wait3A_71, %dma_wait3A_72] : memref<250000x128xf32, #tpu.memory_space<hbm>> -> memref<512x128xf32, #tpu.memory_space<hbm>>
    %dma_wait3A_74 = arith.constant 0 : i32
    %dma_wait3A_75 = arith.constant 0 : i32
    %dma_wait3A_76 = tpu.memref_slice %arg5[%dma_wait3A_74, %dma_wait3A_75] : memref<250000x128xf32, #tpu.memory_space<hbm>> -> memref<512x128xf32, #tpu.memory_space<hbm>>
    tpu.wait_dma2 semaphore(%arg15 : memref<!tpu.dma_semaphore, #tpu.memory_space<semaphore_mem>>) src(%dma_wait3A_76 : memref<512x128xf32, #tpu.memory_space<hbm>>) dst(%arg14 : memref<512x128xf32, #tpu.memory_space<vmem>>)
    "tpu.region"() ({
      %run_scoped3A = tpu.sem_alloc : memref<!tpu.dma_semaphore, #tpu.memory_space<semaphore_mem>>
      %dma_start3A_153 = arith.constant 0 : i32
      %dma_start3A_154 = tpu.memref_slice %arg9[%mul3A_2, %dma_start3A_153] : memref<16384x128xf32, #tpu.memory_space<hbm>> -> memref<512x128xf32, #tpu.memory_space<hbm>>
      %dma_start3A_155 = arith.constant 0 : i32
      %dma_start3A_156 = tpu.memref_slice %arg9[%mul3A_2, %dma_start3A_155] : memref<16384x128xf32, #tpu.memory_space<hbm>> -> memref<512x128xf32, #tpu.memory_space<hbm>>
      tpu.enqueue_dma source(%arg14 : memref<512x128xf32, #tpu.memory_space<vmem>>) target(%dma_start3A_156 : memref<512x128xf32, #tpu.memory_space<hbm>>) target_semaphore(%run_scoped3A : memref<!tpu.dma_semaphore, #tpu.memory_space<semaphore_mem>>)
      %dma_wait3A_157 = arith.constant 0 : i32
      %dma_wait3A_158 = tpu.memref_slice %arg9[%mul3A_2, %dma_wait3A_157] : memref<16384x128xf32, #tpu.memory_space<hbm>> -> memref<512x128xf32, #tpu.memory_space<hbm>>
      %dma_wait3A_159 = arith.constant 0 : i32
      %dma_wait3A_160 = tpu.memref_slice %arg9[%mul3A_2, %dma_wait3A_159] : memref<16384x128xf32, #tpu.memory_space<hbm>> -> memref<512x128xf32, #tpu.memory_space<hbm>>
      tpu.wait_dma2 semaphore(%run_scoped3A : memref<!tpu.dma_semaphore, #tpu.memory_space<semaphore_mem>>) src(%arg14 : memref<512x128xf32, #tpu.memory_space<vmem>>) dst(%dma_wait3A_160 : memref<512x128xf32, #tpu.memory_space<hbm>>)
      tpu.yield
    }) : () -> ()
    %dma_start3A_77 = arith.constant 0 : i32
    %dma_start3A_78 = arith.constant 0 : i32
    %dma_start3A_79 = tpu.memref_slice %arg14[%dma_start3A_77, %dma_start3A_78] : memref<512x128xf32, #tpu.memory_space<vmem>> -> memref<128x128xf32, #tpu.memory_space<vmem>>
    %dma_start3A_80 = arith.constant 0 : i32
    %dma_start3A_81 = tpu.memref_slice %arg12[%dma_start3A_80] : memref<512xi32, #tpu.memory_space<vmem>> -> memref<128xi32, #tpu.memory_space<vmem>>
    %dma_start3A_82 = arith.constant 0 : i32
    %dma_start3A_83 = arith.constant 0 : i32
    %dma_start3A_84 = tpu.memref_slice %arg6[%dma_start3A_82, %dma_start3A_83] : memref<250000x128xf32, #tpu.memory_space<hbm>> -> memref<250000x128xf32, #tpu.memory_space<hbm>>
    tpu.enqueue_indirect_dma source(%dma_start3A_84 : memref<250000x128xf32, #tpu.memory_space<hbm>>) target(%dma_start3A_79 : memref<128x128xf32, #tpu.memory_space<vmem>>) offsets(%dma_start3A_81 : memref<128xi32, #tpu.memory_space<vmem>>) semaphore(%arg15 : memref<!tpu.dma_semaphore, #tpu.memory_space<semaphore_mem>>)
    %dma_start3A_85 = arith.constant 128 : i32
    %dma_start3A_86 = arith.constant 0 : i32
    %dma_start3A_87 = tpu.memref_slice %arg14[%dma_start3A_85, %dma_start3A_86] : memref<512x128xf32, #tpu.memory_space<vmem>> -> memref<128x128xf32, #tpu.memory_space<vmem>>
    %dma_start3A_88 = arith.constant 128 : i32
    %dma_start3A_89 = tpu.memref_slice %arg12[%dma_start3A_88] : memref<512xi32, #tpu.memory_space<vmem>> -> memref<128xi32, #tpu.memory_space<vmem>>
    %dma_start3A_90 = arith.constant 0 : i32
    %dma_start3A_91 = arith.constant 0 : i32
    %dma_start3A_92 = tpu.memref_slice %arg6[%dma_start3A_90, %dma_start3A_91] : memref<250000x128xf32, #tpu.memory_space<hbm>> -> memref<250000x128xf32, #tpu.memory_space<hbm>>
    tpu.enqueue_indirect_dma source(%dma_start3A_92 : memref<250000x128xf32, #tpu.memory_space<hbm>>) target(%dma_start3A_87 : memref<128x128xf32, #tpu.memory_space<vmem>>) offsets(%dma_start3A_89 : memref<128xi32, #tpu.memory_space<vmem>>) semaphore(%arg15 : memref<!tpu.dma_semaphore, #tpu.memory_space<semaphore_mem>>)
    %dma_start3A_93 = arith.constant 256 : i32
    %dma_start3A_94 = arith.constant 0 : i32
    %dma_start3A_95 = tpu.memref_slice %arg14[%dma_start3A_93, %dma_start3A_94] : memref<512x128xf32, #tpu.memory_space<vmem>> -> memref<128x128xf32, #tpu.memory_space<vmem>>
    %dma_start3A_96 = arith.constant 256 : i32
    %dma_start3A_97 = tpu.memref_slice %arg12[%dma_start3A_96] : memref<512xi32, #tpu.memory_space<vmem>> -> memref<128xi32, #tpu.memory_space<vmem>>
    %dma_start3A_98 = arith.constant 0 : i32
    %dma_start3A_99 = arith.constant 0 : i32
    %dma_start3A_100 = tpu.memref_slice %arg6[%dma_start3A_98, %dma_start3A_99] : memref<250000x128xf32, #tpu.memory_space<hbm>> -> memref<250000x128xf32, #tpu.memory_space<hbm>>
    tpu.enqueue_indirect_dma source(%dma_start3A_100 : memref<250000x128xf32, #tpu.memory_space<hbm>>) target(%dma_start3A_95 : memref<128x128xf32, #tpu.memory_space<vmem>>) offsets(%dma_start3A_97 : memref<128xi32, #tpu.memory_space<vmem>>) semaphore(%arg15 : memref<!tpu.dma_semaphore, #tpu.memory_space<semaphore_mem>>)
    %dma_start3A_101 = arith.constant 384 : i32
    %dma_start3A_102 = arith.constant 0 : i32
    %dma_start3A_103 = tpu.memref_slice %arg14[%dma_start3A_101, %dma_start3A_102] : memref<512x128xf32, #tpu.memory_space<vmem>> -> memref<128x128xf32, #tpu.memory_space<vmem>>
    %dma_start3A_104 = arith.constant 384 : i32
    %dma_start3A_105 = tpu.memref_slice %arg12[%dma_start3A_104] : memref<512xi32, #tpu.memory_space<vmem>> -> memref<128xi32, #tpu.memory_space<vmem>>
    %dma_start3A_106 = arith.constant 0 : i32
    %dma_start3A_107 = arith.constant 0 : i32
    %dma_start3A_108 = tpu.memref_slice %arg6[%dma_start3A_106, %dma_start3A_107] : memref<250000x128xf32, #tpu.memory_space<hbm>> -> memref<250000x128xf32, #tpu.memory_space<hbm>>
    tpu.enqueue_indirect_dma source(%dma_start3A_108 : memref<250000x128xf32, #tpu.memory_space<hbm>>) target(%dma_start3A_103 : memref<128x128xf32, #tpu.memory_space<vmem>>) offsets(%dma_start3A_105 : memref<128xi32, #tpu.memory_space<vmem>>) semaphore(%arg15 : memref<!tpu.dma_semaphore, #tpu.memory_space<semaphore_mem>>)
    %dma_wait3A_109 = arith.constant 0 : i32
    %dma_wait3A_110 = arith.constant 0 : i32
    %dma_wait3A_111 = tpu.memref_slice %arg6[%dma_wait3A_109, %dma_wait3A_110] : memref<250000x128xf32, #tpu.memory_space<hbm>> -> memref<512x128xf32, #tpu.memory_space<hbm>>
    %dma_wait3A_112 = arith.constant 0 : i32
    %dma_wait3A_113 = arith.constant 0 : i32
    %dma_wait3A_114 = tpu.memref_slice %arg6[%dma_wait3A_112, %dma_wait3A_113] : memref<250000x128xf32, #tpu.memory_space<hbm>> -> memref<512x128xf32, #tpu.memory_space<hbm>>
    tpu.wait_dma2 semaphore(%arg15 : memref<!tpu.dma_semaphore, #tpu.memory_space<semaphore_mem>>) src(%dma_wait3A_114 : memref<512x128xf32, #tpu.memory_space<hbm>>) dst(%arg14 : memref<512x128xf32, #tpu.memory_space<vmem>>)
    "tpu.region"() ({
      %run_scoped3A = tpu.sem_alloc : memref<!tpu.dma_semaphore, #tpu.memory_space<semaphore_mem>>
      %dma_start3A_153 = arith.constant 0 : i32
      %dma_start3A_154 = tpu.memref_slice %arg10[%mul3A_2, %dma_start3A_153] : memref<16384x128xf32, #tpu.memory_space<hbm>> -> memref<512x128xf32, #tpu.memory_space<hbm>>
      %dma_start3A_155 = arith.constant 0 : i32
      %dma_start3A_156 = tpu.memref_slice %arg10[%mul3A_2, %dma_start3A_155] : memref<16384x128xf32, #tpu.memory_space<hbm>> -> memref<512x128xf32, #tpu.memory_space<hbm>>
      tpu.enqueue_dma source(%arg14 : memref<512x128xf32, #tpu.memory_space<vmem>>) target(%dma_start3A_156 : memref<512x128xf32, #tpu.memory_space<hbm>>) target_semaphore(%run_scoped3A : memref<!tpu.dma_semaphore, #tpu.memory_space<semaphore_mem>>)
      %dma_wait3A_157 = arith.constant 0 : i32
      %dma_wait3A_158 = tpu.memref_slice %arg10[%mul3A_2, %dma_wait3A_157] : memref<16384x128xf32, #tpu.memory_space<hbm>> -> memref<512x128xf32, #tpu.memory_space<hbm>>
      %dma_wait3A_159 = arith.constant 0 : i32
      %dma_wait3A_160 = tpu.memref_slice %arg10[%mul3A_2, %dma_wait3A_159] : memref<16384x128xf32, #tpu.memory_space<hbm>> -> memref<512x128xf32, #tpu.memory_space<hbm>>
      tpu.wait_dma2 semaphore(%run_scoped3A : memref<!tpu.dma_semaphore, #tpu.memory_space<semaphore_mem>>) src(%arg14 : memref<512x128xf32, #tpu.memory_space<vmem>>) dst(%dma_wait3A_160 : memref<512x128xf32, #tpu.memory_space<hbm>>)
      tpu.yield
    }) : () -> ()
    %dma_start3A_115 = arith.constant 0 : i32
    %dma_start3A_116 = arith.constant 0 : i32
    %dma_start3A_117 = tpu.memref_slice %arg14[%dma_start3A_115, %dma_start3A_116] : memref<512x128xf32, #tpu.memory_space<vmem>> -> memref<128x128xf32, #tpu.memory_space<vmem>>
    %dma_start3A_118 = arith.constant 0 : i32
    %dma_start3A_119 = tpu.memref_slice %arg13[%dma_start3A_118] : memref<512xi32, #tpu.memory_space<vmem>> -> memref<128xi32, #tpu.memory_space<vmem>>
    %dma_start3A_120 = arith.constant 0 : i32
    %dma_start3A_121 = arith.constant 0 : i32
    %dma_start3A_122 = tpu.memref_slice %arg7[%dma_start3A_120, %dma_start3A_121] : memref<250000x128xf32, #tpu.memory_space<hbm>> -> memref<250000x128xf32, #tpu.memory_space<hbm>>
    tpu.enqueue_indirect_dma source(%dma_start3A_122 : memref<250000x128xf32, #tpu.memory_space<hbm>>) target(%dma_start3A_117 : memref<128x128xf32, #tpu.memory_space<vmem>>) offsets(%dma_start3A_119 : memref<128xi32, #tpu.memory_space<vmem>>) semaphore(%arg15 : memref<!tpu.dma_semaphore, #tpu.memory_space<semaphore_mem>>)
    %dma_start3A_123 = arith.constant 128 : i32
    %dma_start3A_124 = arith.constant 0 : i32
    %dma_start3A_125 = tpu.memref_slice %arg14[%dma_start3A_123, %dma_start3A_124] : memref<512x128xf32, #tpu.memory_space<vmem>> -> memref<128x128xf32, #tpu.memory_space<vmem>>
    %dma_start3A_126 = arith.constant 128 : i32
    %dma_start3A_127 = tpu.memref_slice %arg13[%dma_start3A_126] : memref<512xi32, #tpu.memory_space<vmem>> -> memref<128xi32, #tpu.memory_space<vmem>>
    %dma_start3A_128 = arith.constant 0 : i32
    %dma_start3A_129 = arith.constant 0 : i32
    %dma_start3A_130 = tpu.memref_slice %arg7[%dma_start3A_128, %dma_start3A_129] : memref<250000x128xf32, #tpu.memory_space<hbm>> -> memref<250000x128xf32, #tpu.memory_space<hbm>>
    tpu.enqueue_indirect_dma source(%dma_start3A_130 : memref<250000x128xf32, #tpu.memory_space<hbm>>) target(%dma_start3A_125 : memref<128x128xf32, #tpu.memory_space<vmem>>) offsets(%dma_start3A_127 : memref<128xi32, #tpu.memory_space<vmem>>) semaphore(%arg15 : memref<!tpu.dma_semaphore, #tpu.memory_space<semaphore_mem>>)
    %dma_start3A_131 = arith.constant 256 : i32
    %dma_start3A_132 = arith.constant 0 : i32
    %dma_start3A_133 = tpu.memref_slice %arg14[%dma_start3A_131, %dma_start3A_132] : memref<512x128xf32, #tpu.memory_space<vmem>> -> memref<128x128xf32, #tpu.memory_space<vmem>>
    %dma_start3A_134 = arith.constant 256 : i32
    %dma_start3A_135 = tpu.memref_slice %arg13[%dma_start3A_134] : memref<512xi32, #tpu.memory_space<vmem>> -> memref<128xi32, #tpu.memory_space<vmem>>
    %dma_start3A_136 = arith.constant 0 : i32
    %dma_start3A_137 = arith.constant 0 : i32
    %dma_start3A_138 = tpu.memref_slice %arg7[%dma_start3A_136, %dma_start3A_137] : memref<250000x128xf32, #tpu.memory_space<hbm>> -> memref<250000x128xf32, #tpu.memory_space<hbm>>
    tpu.enqueue_indirect_dma source(%dma_start3A_138 : memref<250000x128xf32, #tpu.memory_space<hbm>>) target(%dma_start3A_133 : memref<128x128xf32, #tpu.memory_space<vmem>>) offsets(%dma_start3A_135 : memref<128xi32, #tpu.memory_space<vmem>>) semaphore(%arg15 : memref<!tpu.dma_semaphore, #tpu.memory_space<semaphore_mem>>)
    %dma_start3A_139 = arith.constant 384 : i32
    %dma_start3A_140 = arith.constant 0 : i32
    %dma_start3A_141 = tpu.memref_slice %arg14[%dma_start3A_139, %dma_start3A_140] : memref<512x128xf32, #tpu.memory_space<vmem>> -> memref<128x128xf32, #tpu.memory_space<vmem>>
    %dma_start3A_142 = arith.constant 384 : i32
    %dma_start3A_143 = tpu.memref_slice %arg13[%dma_start3A_142] : memref<512xi32, #tpu.memory_space<vmem>> -> memref<128xi32, #tpu.memory_space<vmem>>
    %dma_start3A_144 = arith.constant 0 : i32
    %dma_start3A_145 = arith.constant 0 : i32
    %dma_start3A_146 = tpu.memref_slice %arg7[%dma_start3A_144, %dma_start3A_145] : memref<250000x128xf32, #tpu.memory_space<hbm>> -> memref<250000x128xf32, #tpu.memory_space<hbm>>
    tpu.enqueue_indirect_dma source(%dma_start3A_146 : memref<250000x128xf32, #tpu.memory_space<hbm>>) target(%dma_start3A_141 : memref<128x128xf32, #tpu.memory_space<vmem>>) offsets(%dma_start3A_143 : memref<128xi32, #tpu.memory_space<vmem>>) semaphore(%arg15 : memref<!tpu.dma_semaphore, #tpu.memory_space<semaphore_mem>>)
    %dma_wait3A_147 = arith.constant 0 : i32
    %dma_wait3A_148 = arith.constant 0 : i32
    %dma_wait3A_149 = tpu.memref_slice %arg7[%dma_wait3A_147, %dma_wait3A_148] : memref<250000x128xf32, #tpu.memory_space<hbm>> -> memref<512x128xf32, #tpu.memory_space<hbm>>
    %dma_wait3A_150 = arith.constant 0 : i32
    %dma_wait3A_151 = arith.constant 0 : i32
    %dma_wait3A_152 = tpu.memref_slice %arg7[%dma_wait3A_150, %dma_wait3A_151] : memref<250000x128xf32, #tpu.memory_space<hbm>> -> memref<512x128xf32, #tpu.memory_space<hbm>>
    tpu.wait_dma2 semaphore(%arg15 : memref<!tpu.dma_semaphore, #tpu.memory_space<semaphore_mem>>) src(%dma_wait3A_152 : memref<512x128xf32, #tpu.memory_space<hbm>>) dst(%arg14 : memref<512x128xf32, #tpu.memory_space<vmem>>)
    "tpu.region"() ({
      %run_scoped3A = tpu.sem_alloc : memref<!tpu.dma_semaphore, #tpu.memory_space<semaphore_mem>>
      %dma_start3A_153 = arith.constant 0 : i32
      %dma_start3A_154 = tpu.memref_slice %arg11[%mul3A_2, %dma_start3A_153] : memref<16384x128xf32, #tpu.memory_space<hbm>> -> memref<512x128xf32, #tpu.memory_space<hbm>>
      %dma_start3A_155 = arith.constant 0 : i32
      %dma_start3A_156 = tpu.memref_slice %arg11[%mul3A_2, %dma_start3A_155] : memref<16384x128xf32, #tpu.memory_space<hbm>> -> memref<512x128xf32, #tpu.memory_space<hbm>>
      tpu.enqueue_dma source(%arg14 : memref<512x128xf32, #tpu.memory_space<vmem>>) target(%dma_start3A_156 : memref<512x128xf32, #tpu.memory_space<hbm>>) target_semaphore(%run_scoped3A : memref<!tpu.dma_semaphore, #tpu.memory_space<semaphore_mem>>)
      %dma_wait3A_157 = arith.constant 0 : i32
      %dma_wait3A_158 = tpu.memref_slice %arg11[%mul3A_2, %dma_wait3A_157] : memref<16384x128xf32, #tpu.memory_space<hbm>> -> memref<512x128xf32, #tpu.memory_space<hbm>>
      %dma_wait3A_159 = arith.constant 0 : i32
      %dma_wait3A_160 = tpu.memref_slice %arg11[%mul3A_2, %dma_wait3A_159] : memref<16384x128xf32, #tpu.memory_space<hbm>> -> memref<512x128xf32, #tpu.memory_space<hbm>>
      tpu.wait_dma2 semaphore(%run_scoped3A : memref<!tpu.dma_semaphore, #tpu.memory_space<semaphore_mem>>) src(%arg14 : memref<512x128xf32, #tpu.memory_space<vmem>>) dst(%dma_wait3A_160 : memref<512x128xf32, #tpu.memory_space<hbm>>)
      tpu.yield
    }) : () -> ()
    return
  }
}

module attributes {stable_mosaic.version = 14 : i64} {
  func.func @body(%arg0: i32, %arg1: memref<2048x128xf32, #tpu.memory_space<vmem>>, %arg2: memref<2048x128xf32, #tpu.memory_space<vmem>>, %arg3: memref<2048x128xf32, #tpu.memory_space<vmem>>, %arg4: memref<2048x128xf32, #tpu.memory_space<vmem>>, %arg5: memref<2048x1xi32, #tpu.memory_space<vmem>>, %arg6: memref<2048x1xi32, #tpu.memory_space<vmem>>, %arg7: memref<32x32xf32, #tpu.memory_space<vmem>>, %arg8: memref<32x32xf32, #tpu.memory_space<vmem>>, %arg9: memref<1x32xf32, #tpu.memory_space<vmem>>, %arg10: memref<32x32xf32, #tpu.memory_space<vmem>>, %arg11: memref<1x32xf32, #tpu.memory_space<vmem>>, %arg12: memref<32x16xf32, #tpu.memory_space<vmem>>, %arg13: memref<1x16xf32, #tpu.memory_space<vmem>>, %arg14: memref<16x8xf32, #tpu.memory_space<vmem>>, %arg15: memref<1x8xf32, #tpu.memory_space<vmem>>, %arg16: memref<32x1xf32, #tpu.memory_space<vmem>>, %arg17: memref<8x1xf32, #tpu.memory_space<vmem>>, %arg18: memref<1x1xf32, #tpu.memory_space<vmem>>, %arg19: memref<2048x1xf32, #tpu.memory_space<vmem>>) attributes {dimension_semantics = [#tpu.dimension_semantics<arbitrary>], iteration_bounds = array<i64: 8>, scalar_prefetch = 0 : i64, scratch_operands = 0 : i64, tpu.core_type = #tpu.core_type<tc>, window_params = [{transform_indices = @transform_0, window_bounds = array<i64: 2048, 128>}, {transform_indices = @transform_1, window_bounds = array<i64: 2048, 128>}, {transform_indices = @transform_2, window_bounds = array<i64: 2048, 128>}, {transform_indices = @transform_3, window_bounds = array<i64: 2048, 128>}, {transform_indices = @transform_4, window_bounds = array<i64: 2048, 1>}, {transform_indices = @transform_5, window_bounds = array<i64: 2048, 1>}, {pipeline_mode = #tpu.pipeline_mode<synchronous>, transform_indices = @transform_6, window_bounds = array<i64: 32, 32>}, {pipeline_mode = #tpu.pipeline_mode<synchronous>, transform_indices = @transform_7, window_bounds = array<i64: 32, 32>}, {pipeline_mode = #tpu.pipeline_mode<synchronous>, transform_indices = @transform_8, window_bounds = array<i64: 1, 32>}, {pipeline_mode = #tpu.pipeline_mode<synchronous>, transform_indices = @transform_9, window_bounds = array<i64: 32, 32>}, {pipeline_mode = #tpu.pipeline_mode<synchronous>, transform_indices = @transform_10, window_bounds = array<i64: 1, 32>}, {pipeline_mode = #tpu.pipeline_mode<synchronous>, transform_indices = @transform_11, window_bounds = array<i64: 32, 16>}, {pipeline_mode = #tpu.pipeline_mode<synchronous>, transform_indices = @transform_12, window_bounds = array<i64: 1, 16>}, {pipeline_mode = #tpu.pipeline_mode<synchronous>, transform_indices = @transform_13, window_bounds = array<i64: 16, 8>}, {pipeline_mode = #tpu.pipeline_mode<synchronous>, transform_indices = @transform_14, window_bounds = array<i64: 1, 8>}, {pipeline_mode = #tpu.pipeline_mode<synchronous>, transform_indices = @transform_15, window_bounds = array<i64: 32, 1>}, {pipeline_mode = #tpu.pipeline_mode<synchronous>, transform_indices = @transform_16, window_bounds = array<i64: 8, 1>}, {pipeline_mode = #tpu.pipeline_mode<synchronous>, transform_indices = @transform_17, window_bounds = array<i64: 1, 1>}, {transform_indices = @transform_18, window_bounds = array<i64: 2048, 1>}]} {
    %iota3A = tpu.iota {dimensions = array<i32: 1>} : vector<1x4xi32>
    %get3A = arith.constant 0 : index
    %get3A_0 = arith.constant 0 : index
    %get3A_1 = vector.load %arg5[%get3A, %get3A_0] : memref<2048x1xi32, #tpu.memory_space<vmem>>, vector<2048x1xi32>
    %eq3A = vector.broadcast %get3A_1 : vector<2048x1xi32> to vector<2048x4xi32>
    %eq3A_2 = vector.broadcast %iota3A : vector<1x4xi32> to vector<2048x4xi32>
    %eq3A_3 = arith.cmpi eq, %eq3A, %eq3A_2 : vector<2048x4xi32>
    %convert_element_type3A = arith.extui %eq3A_3 : vector<2048x4xi1> to vector<2048x4xi32>
    %convert_element_type3A_4 = arith.sitofp %convert_element_type3A : vector<2048x4xi32> to vector<2048x4xf32>
    %get3A_5 = arith.constant 0 : index
    %get3A_6 = arith.constant 0 : index
    %get3A_7 = vector.load %arg6[%get3A_5, %get3A_6] : memref<2048x1xi32, #tpu.memory_space<vmem>>, vector<2048x1xi32>
    %eq3A_8 = vector.broadcast %get3A_7 : vector<2048x1xi32> to vector<2048x4xi32>
    %eq3A_9 = vector.broadcast %iota3A : vector<1x4xi32> to vector<2048x4xi32>
    %eq3A_10 = arith.cmpi eq, %eq3A_8, %eq3A_9 : vector<2048x4xi32>
    %convert_element_type3A_11 = arith.extui %eq3A_10 : vector<2048x4xi1> to vector<2048x4xi32>
    %convert_element_type3A_12 = arith.sitofp %convert_element_type3A_11 : vector<2048x4xi32> to vector<2048x4xf32>
    %get3A_13 = arith.constant 0 : index
    %get3A_14 = arith.constant 0 : index
    %get3A_15 = vector.load %arg3[%get3A_13, %get3A_14] : memref<2048x128xf32, #tpu.memory_space<vmem>>, vector<2048x128xf32>
    %slice3A = vector.extract_strided_slice %get3A_15 {offsets = [0, 0], sizes = [2048, 32], strides = [1, 1]} : vector<2048x128xf32> to vector<2048x32xf32>
    %slice3A_16 = vector.extract_strided_slice %convert_element_type3A_4 {offsets = [0, 0], sizes = [2048, 1], strides = [1, 1]} : vector<2048x4xf32> to vector<2048x1xf32>
    %mul3A = vector.broadcast %slice3A_16 : vector<2048x1xf32> to vector<2048x32xf32>
    %mul3A_17 = arith.mulf %slice3A, %mul3A : vector<2048x32xf32>
    %slice3A_18 = vector.extract_strided_slice %get3A_15 {offsets = [0, 32], sizes = [2048, 32], strides = [1, 1]} : vector<2048x128xf32> to vector<2048x32xf32>
    %slice3A_19 = vector.extract_strided_slice %convert_element_type3A_4 {offsets = [0, 1], sizes = [2048, 1], strides = [1, 1]} : vector<2048x4xf32> to vector<2048x1xf32>
    %mul3A_20 = vector.broadcast %slice3A_19 : vector<2048x1xf32> to vector<2048x32xf32>
    %mul3A_21 = arith.mulf %slice3A_18, %mul3A_20 : vector<2048x32xf32>
    %add3A = arith.addf %mul3A_17, %mul3A_21 : vector<2048x32xf32>
    %slice3A_22 = vector.extract_strided_slice %get3A_15 {offsets = [0, 64], sizes = [2048, 32], strides = [1, 1]} : vector<2048x128xf32> to vector<2048x32xf32>
    %slice3A_23 = vector.extract_strided_slice %convert_element_type3A_4 {offsets = [0, 2], sizes = [2048, 1], strides = [1, 1]} : vector<2048x4xf32> to vector<2048x1xf32>
    %mul3A_24 = vector.broadcast %slice3A_23 : vector<2048x1xf32> to vector<2048x32xf32>
    %mul3A_25 = arith.mulf %slice3A_22, %mul3A_24 : vector<2048x32xf32>
    %add3A_26 = arith.addf %add3A, %mul3A_25 : vector<2048x32xf32>
    %slice3A_27 = vector.extract_strided_slice %get3A_15 {offsets = [0, 96], sizes = [2048, 32], strides = [1, 1]} : vector<2048x128xf32> to vector<2048x32xf32>
    %slice3A_28 = vector.extract_strided_slice %convert_element_type3A_4 {offsets = [0, 3], sizes = [2048, 1], strides = [1, 1]} : vector<2048x4xf32> to vector<2048x1xf32>
    %mul3A_29 = vector.broadcast %slice3A_28 : vector<2048x1xf32> to vector<2048x32xf32>
    %mul3A_30 = arith.mulf %slice3A_27, %mul3A_29 : vector<2048x32xf32>
    %add3A_31 = arith.addf %add3A_26, %mul3A_30 : vector<2048x32xf32>
    %get3A_32 = arith.constant 0 : index
    %get3A_33 = arith.constant 0 : index
    %get3A_34 = vector.load %arg4[%get3A_32, %get3A_33] : memref<2048x128xf32, #tpu.memory_space<vmem>>, vector<2048x128xf32>
    %slice3A_35 = vector.extract_strided_slice %get3A_34 {offsets = [0, 0], sizes = [2048, 32], strides = [1, 1]} : vector<2048x128xf32> to vector<2048x32xf32>
    %slice3A_36 = vector.extract_strided_slice %convert_element_type3A_12 {offsets = [0, 0], sizes = [2048, 1], strides = [1, 1]} : vector<2048x4xf32> to vector<2048x1xf32>
    %mul3A_37 = vector.broadcast %slice3A_36 : vector<2048x1xf32> to vector<2048x32xf32>
    %mul3A_38 = arith.mulf %slice3A_35, %mul3A_37 : vector<2048x32xf32>
    %slice3A_39 = vector.extract_strided_slice %get3A_34 {offsets = [0, 32], sizes = [2048, 32], strides = [1, 1]} : vector<2048x128xf32> to vector<2048x32xf32>
    %slice3A_40 = vector.extract_strided_slice %convert_element_type3A_12 {offsets = [0, 1], sizes = [2048, 1], strides = [1, 1]} : vector<2048x4xf32> to vector<2048x1xf32>
    %mul3A_41 = vector.broadcast %slice3A_40 : vector<2048x1xf32> to vector<2048x32xf32>
    %mul3A_42 = arith.mulf %slice3A_39, %mul3A_41 : vector<2048x32xf32>
    %add3A_43 = arith.addf %mul3A_38, %mul3A_42 : vector<2048x32xf32>
    %slice3A_44 = vector.extract_strided_slice %get3A_34 {offsets = [0, 64], sizes = [2048, 32], strides = [1, 1]} : vector<2048x128xf32> to vector<2048x32xf32>
    %slice3A_45 = vector.extract_strided_slice %convert_element_type3A_12 {offsets = [0, 2], sizes = [2048, 1], strides = [1, 1]} : vector<2048x4xf32> to vector<2048x1xf32>
    %mul3A_46 = vector.broadcast %slice3A_45 : vector<2048x1xf32> to vector<2048x32xf32>
    %mul3A_47 = arith.mulf %slice3A_44, %mul3A_46 : vector<2048x32xf32>
    %add3A_48 = arith.addf %add3A_43, %mul3A_47 : vector<2048x32xf32>
    %slice3A_49 = vector.extract_strided_slice %get3A_34 {offsets = [0, 96], sizes = [2048, 32], strides = [1, 1]} : vector<2048x128xf32> to vector<2048x32xf32>
    %slice3A_50 = vector.extract_strided_slice %convert_element_type3A_12 {offsets = [0, 3], sizes = [2048, 1], strides = [1, 1]} : vector<2048x4xf32> to vector<2048x1xf32>
    %mul3A_51 = vector.broadcast %slice3A_50 : vector<2048x1xf32> to vector<2048x32xf32>
    %mul3A_52 = arith.mulf %slice3A_49, %mul3A_51 : vector<2048x32xf32>
    %add3A_53 = arith.addf %add3A_48, %mul3A_52 : vector<2048x32xf32>
    %get3A_54 = arith.constant 0 : index
    %get3A_55 = arith.constant 0 : index
    %get3A_56 = vector.load %arg7[%get3A_54, %get3A_55] : memref<32x32xf32, #tpu.memory_space<vmem>>, vector<32x32xf32>
    %dot_general3A = arith.constant dense<0.000000e+00> : vector<2048x32xf32>
    %dot_general3A_57 = tpu.matmul %add3A_31, %get3A_56, %dot_general3A {dimension_numbers = #tpu.dot_dimension_numbers<[1], [0], [0], [1], [0, 0, 1, 1], [], []>, transpose_lhs_hint = false} : vector<2048x32xf32>, vector<32x32xf32>, vector<2048x32xf32> -> vector<2048x32xf32>
    %get3A_58 = arith.constant 0 : index
    %get3A_59 = arith.constant 0 : index
    %get3A_60 = vector.load %arg8[%get3A_58, %get3A_59] : memref<32x32xf32, #tpu.memory_space<vmem>>, vector<32x32xf32>
    %dot_general3A_61 = arith.constant dense<0.000000e+00> : vector<2048x32xf32>
    %dot_general3A_62 = tpu.matmul %add3A_53, %get3A_60, %dot_general3A_61 {dimension_numbers = #tpu.dot_dimension_numbers<[1], [0], [0], [1], [0, 0, 1, 1], [], []>, transpose_lhs_hint = false} : vector<2048x32xf32>, vector<32x32xf32>, vector<2048x32xf32> -> vector<2048x32xf32>
    %add3A_63 = arith.addf %dot_general3A_57, %dot_general3A_62 : vector<2048x32xf32>
    %get3A_64 = arith.constant 0 : index
    %get3A_65 = arith.constant 0 : index
    %get3A_66 = vector.load %arg9[%get3A_64, %get3A_65] : memref<1x32xf32, #tpu.memory_space<vmem>>, vector<1x32xf32>
    %add3A_67 = vector.broadcast %get3A_66 : vector<1x32xf32> to vector<2048x32xf32>
    %add3A_68 = arith.addf %add3A_63, %add3A_67 : vector<2048x32xf32>
    %max3A = arith.constant 0.000000e+00 : f32
    %max3A_69 = vector.broadcast %max3A : f32 to vector<2048x32xf32>
    %max3A_70 = arith.maximumf %add3A_68, %max3A_69 : vector<2048x32xf32>
    %get3A_71 = arith.constant 0 : index
    %get3A_72 = arith.constant 0 : index
    %get3A_73 = vector.load %arg10[%get3A_71, %get3A_72] : memref<32x32xf32, #tpu.memory_space<vmem>>, vector<32x32xf32>
    %dot_general3A_74 = arith.constant dense<0.000000e+00> : vector<2048x32xf32>
    %dot_general3A_75 = tpu.matmul %max3A_70, %get3A_73, %dot_general3A_74 {dimension_numbers = #tpu.dot_dimension_numbers<[1], [0], [0], [1], [0, 0, 1, 1], [], []>, transpose_lhs_hint = false} : vector<2048x32xf32>, vector<32x32xf32>, vector<2048x32xf32> -> vector<2048x32xf32>
    %get3A_76 = arith.constant 0 : index
    %get3A_77 = arith.constant 0 : index
    %get3A_78 = vector.load %arg11[%get3A_76, %get3A_77] : memref<1x32xf32, #tpu.memory_space<vmem>>, vector<1x32xf32>
    %add3A_79 = vector.broadcast %get3A_78 : vector<1x32xf32> to vector<2048x32xf32>
    %add3A_80 = arith.addf %dot_general3A_75, %add3A_79 : vector<2048x32xf32>
    %max3A_81 = arith.constant 0.000000e+00 : f32
    %max3A_82 = vector.broadcast %max3A_81 : f32 to vector<2048x32xf32>
    %max3A_83 = arith.maximumf %add3A_80, %max3A_82 : vector<2048x32xf32>
    %get3A_84 = arith.constant 0 : index
    %get3A_85 = arith.constant 0 : index
    %get3A_86 = vector.load %arg12[%get3A_84, %get3A_85] : memref<32x16xf32, #tpu.memory_space<vmem>>, vector<32x16xf32>
    %dot_general3A_87 = arith.constant dense<0.000000e+00> : vector<2048x16xf32>
    %dot_general3A_88 = tpu.matmul %max3A_83, %get3A_86, %dot_general3A_87 {dimension_numbers = #tpu.dot_dimension_numbers<[1], [0], [0], [1], [0, 0, 1, 1], [], []>, transpose_lhs_hint = false} : vector<2048x32xf32>, vector<32x16xf32>, vector<2048x16xf32> -> vector<2048x16xf32>
    %get3A_89 = arith.constant 0 : index
    %get3A_90 = arith.constant 0 : index
    %get3A_91 = vector.load %arg13[%get3A_89, %get3A_90] : memref<1x16xf32, #tpu.memory_space<vmem>>, vector<1x16xf32>
    %add3A_92 = vector.broadcast %get3A_91 : vector<1x16xf32> to vector<2048x16xf32>
    %add3A_93 = arith.addf %dot_general3A_88, %add3A_92 : vector<2048x16xf32>
    %max3A_94 = arith.constant 0.000000e+00 : f32
    %max3A_95 = vector.broadcast %max3A_94 : f32 to vector<2048x16xf32>
    %max3A_96 = arith.maximumf %add3A_93, %max3A_95 : vector<2048x16xf32>
    %get3A_97 = arith.constant 0 : index
    %get3A_98 = arith.constant 0 : index
    %get3A_99 = vector.load %arg14[%get3A_97, %get3A_98] : memref<16x8xf32, #tpu.memory_space<vmem>>, vector<16x8xf32>
    %dot_general3A_100 = arith.constant dense<0.000000e+00> : vector<2048x8xf32>
    %dot_general3A_101 = tpu.matmul %max3A_96, %get3A_99, %dot_general3A_100 {dimension_numbers = #tpu.dot_dimension_numbers<[1], [0], [0], [1], [0, 0, 1, 1], [], []>, transpose_lhs_hint = false} : vector<2048x16xf32>, vector<16x8xf32>, vector<2048x8xf32> -> vector<2048x8xf32>
    %get3A_102 = arith.constant 0 : index
    %get3A_103 = arith.constant 0 : index
    %get3A_104 = vector.load %arg15[%get3A_102, %get3A_103] : memref<1x8xf32, #tpu.memory_space<vmem>>, vector<1x8xf32>
    %add3A_105 = vector.broadcast %get3A_104 : vector<1x8xf32> to vector<2048x8xf32>
    %add3A_106 = arith.addf %dot_general3A_101, %add3A_105 : vector<2048x8xf32>
    %max3A_107 = arith.constant 0.000000e+00 : f32
    %max3A_108 = vector.broadcast %max3A_107 : f32 to vector<2048x8xf32>
    %max3A_109 = arith.maximumf %add3A_106, %max3A_108 : vector<2048x8xf32>
    %get3A_110 = arith.constant 0 : index
    %get3A_111 = arith.constant 0 : index
    %get3A_112 = vector.load %arg1[%get3A_110, %get3A_111] : memref<2048x128xf32, #tpu.memory_space<vmem>>, vector<2048x128xf32>
    %slice3A_113 = vector.extract_strided_slice %get3A_112 {offsets = [0, 0], sizes = [2048, 32], strides = [1, 1]} : vector<2048x128xf32> to vector<2048x32xf32>
    %slice3A_114 = vector.extract_strided_slice %convert_element_type3A_4 {offsets = [0, 0], sizes = [2048, 1], strides = [1, 1]} : vector<2048x4xf32> to vector<2048x1xf32>
    %mul3A_115 = vector.broadcast %slice3A_114 : vector<2048x1xf32> to vector<2048x32xf32>
    %mul3A_116 = arith.mulf %slice3A_113, %mul3A_115 : vector<2048x32xf32>
    %slice3A_117 = vector.extract_strided_slice %get3A_112 {offsets = [0, 32], sizes = [2048, 32], strides = [1, 1]} : vector<2048x128xf32> to vector<2048x32xf32>
    %slice3A_118 = vector.extract_strided_slice %convert_element_type3A_4 {offsets = [0, 1], sizes = [2048, 1], strides = [1, 1]} : vector<2048x4xf32> to vector<2048x1xf32>
    %mul3A_119 = vector.broadcast %slice3A_118 : vector<2048x1xf32> to vector<2048x32xf32>
    %mul3A_120 = arith.mulf %slice3A_117, %mul3A_119 : vector<2048x32xf32>
    %add3A_121 = arith.addf %mul3A_116, %mul3A_120 : vector<2048x32xf32>
    %slice3A_122 = vector.extract_strided_slice %get3A_112 {offsets = [0, 64], sizes = [2048, 32], strides = [1, 1]} : vector<2048x128xf32> to vector<2048x32xf32>
    %slice3A_123 = vector.extract_strided_slice %convert_element_type3A_4 {offsets = [0, 2], sizes = [2048, 1], strides = [1, 1]} : vector<2048x4xf32> to vector<2048x1xf32>
    %mul3A_124 = vector.broadcast %slice3A_123 : vector<2048x1xf32> to vector<2048x32xf32>
    %mul3A_125 = arith.mulf %slice3A_122, %mul3A_124 : vector<2048x32xf32>
    %add3A_126 = arith.addf %add3A_121, %mul3A_125 : vector<2048x32xf32>
    %slice3A_127 = vector.extract_strided_slice %get3A_112 {offsets = [0, 96], sizes = [2048, 32], strides = [1, 1]} : vector<2048x128xf32> to vector<2048x32xf32>
    %slice3A_128 = vector.extract_strided_slice %convert_element_type3A_4 {offsets = [0, 3], sizes = [2048, 1], strides = [1, 1]} : vector<2048x4xf32> to vector<2048x1xf32>
    %mul3A_129 = vector.broadcast %slice3A_128 : vector<2048x1xf32> to vector<2048x32xf32>
    %mul3A_130 = arith.mulf %slice3A_127, %mul3A_129 : vector<2048x32xf32>
    %add3A_131 = arith.addf %add3A_126, %mul3A_130 : vector<2048x32xf32>
    %get3A_132 = arith.constant 0 : index
    %get3A_133 = arith.constant 0 : index
    %get3A_134 = vector.load %arg2[%get3A_132, %get3A_133] : memref<2048x128xf32, #tpu.memory_space<vmem>>, vector<2048x128xf32>
    %slice3A_135 = vector.extract_strided_slice %get3A_134 {offsets = [0, 0], sizes = [2048, 32], strides = [1, 1]} : vector<2048x128xf32> to vector<2048x32xf32>
    %slice3A_136 = vector.extract_strided_slice %convert_element_type3A_12 {offsets = [0, 0], sizes = [2048, 1], strides = [1, 1]} : vector<2048x4xf32> to vector<2048x1xf32>
    %mul3A_137 = vector.broadcast %slice3A_136 : vector<2048x1xf32> to vector<2048x32xf32>
    %mul3A_138 = arith.mulf %slice3A_135, %mul3A_137 : vector<2048x32xf32>
    %slice3A_139 = vector.extract_strided_slice %get3A_134 {offsets = [0, 32], sizes = [2048, 32], strides = [1, 1]} : vector<2048x128xf32> to vector<2048x32xf32>
    %slice3A_140 = vector.extract_strided_slice %convert_element_type3A_12 {offsets = [0, 1], sizes = [2048, 1], strides = [1, 1]} : vector<2048x4xf32> to vector<2048x1xf32>
    %mul3A_141 = vector.broadcast %slice3A_140 : vector<2048x1xf32> to vector<2048x32xf32>
    %mul3A_142 = arith.mulf %slice3A_139, %mul3A_141 : vector<2048x32xf32>
    %add3A_143 = arith.addf %mul3A_138, %mul3A_142 : vector<2048x32xf32>
    %slice3A_144 = vector.extract_strided_slice %get3A_134 {offsets = [0, 64], sizes = [2048, 32], strides = [1, 1]} : vector<2048x128xf32> to vector<2048x32xf32>
    %slice3A_145 = vector.extract_strided_slice %convert_element_type3A_12 {offsets = [0, 2], sizes = [2048, 1], strides = [1, 1]} : vector<2048x4xf32> to vector<2048x1xf32>
    %mul3A_146 = vector.broadcast %slice3A_145 : vector<2048x1xf32> to vector<2048x32xf32>
    %mul3A_147 = arith.mulf %slice3A_144, %mul3A_146 : vector<2048x32xf32>
    %add3A_148 = arith.addf %add3A_143, %mul3A_147 : vector<2048x32xf32>
    %slice3A_149 = vector.extract_strided_slice %get3A_134 {offsets = [0, 96], sizes = [2048, 32], strides = [1, 1]} : vector<2048x128xf32> to vector<2048x32xf32>
    %slice3A_150 = vector.extract_strided_slice %convert_element_type3A_12 {offsets = [0, 3], sizes = [2048, 1], strides = [1, 1]} : vector<2048x4xf32> to vector<2048x1xf32>
    %mul3A_151 = vector.broadcast %slice3A_150 : vector<2048x1xf32> to vector<2048x32xf32>
    %mul3A_152 = arith.mulf %slice3A_149, %mul3A_151 : vector<2048x32xf32>
    %add3A_153 = arith.addf %add3A_148, %mul3A_152 : vector<2048x32xf32>
    %mul3A_154 = arith.mulf %add3A_131, %add3A_153 : vector<2048x32xf32>
    %get3A_155 = arith.constant 0 : index
    %get3A_156 = arith.constant 0 : index
    %get3A_157 = vector.load %arg16[%get3A_155, %get3A_156] : memref<32x1xf32, #tpu.memory_space<vmem>>, vector<32x1xf32>
    %dot_general3A_158 = arith.constant dense<0.000000e+00> : vector<2048x1xf32>
    %dot_general3A_159 = tpu.matmul %mul3A_154, %get3A_157, %dot_general3A_158 {dimension_numbers = #tpu.dot_dimension_numbers<[1], [0], [0], [1], [0, 0, 1, 1], [], []>, transpose_lhs_hint = false} : vector<2048x32xf32>, vector<32x1xf32>, vector<2048x1xf32> -> vector<2048x1xf32>
    %get3A_160 = arith.constant 0 : index
    %get3A_161 = arith.constant 0 : index
    %get3A_162 = vector.load %arg17[%get3A_160, %get3A_161] : memref<8x1xf32, #tpu.memory_space<vmem>>, vector<8x1xf32>
    %dot_general3A_163 = arith.constant dense<0.000000e+00> : vector<2048x1xf32>
    %dot_general3A_164 = tpu.matmul %max3A_109, %get3A_162, %dot_general3A_163 {dimension_numbers = #tpu.dot_dimension_numbers<[1], [0], [0], [1], [0, 0, 1, 1], [], []>, transpose_lhs_hint = false} : vector<2048x8xf32>, vector<8x1xf32>, vector<2048x1xf32> -> vector<2048x1xf32>
    %add3A_165 = arith.addf %dot_general3A_159, %dot_general3A_164 : vector<2048x1xf32>
    %get3A_166 = arith.constant 0 : index
    %get3A_167 = arith.constant 0 : index
    %get3A_168 = vector.load %arg18[%get3A_166, %get3A_167] : memref<1x1xf32, #tpu.memory_space<vmem>>, vector<1x1xf32>
    %add3A_169 = vector.broadcast %get3A_168 : vector<1x1xf32> to vector<2048x1xf32>
    %add3A_170 = arith.addf %add3A_165, %add3A_169 : vector<2048x1xf32>
    %swap3A = arith.constant 0 : index
    %swap3A_171 = arith.constant 0 : index
    %swap3A_172 = vector.load %arg19[%swap3A, %swap3A_171] : memref<2048x1xf32, #tpu.memory_space<vmem>>, vector<2048x1xf32>
    tpu.vector_store %arg19[%swap3A, %swap3A_171], %add3A_170 {strides = array<i32>} : memref<2048x1xf32, #tpu.memory_space<vmem>>, vector<2048x1xf32>,
    return
  }
  func.func @transform_0(%arg0: i32) -> (i32, i32) {
    %c0_i32 = arith.constant 0 : i32
    %c0_i32_0 = arith.constant 0 : i32
    return %arg0, %c0_i32 : i32, i32
  }
  func.func @transform_1(%arg0: i32) -> (i32, i32) {
    %c0_i32 = arith.constant 0 : i32
    %c0_i32_0 = arith.constant 0 : i32
    return %arg0, %c0_i32 : i32, i32
  }
  func.func @transform_2(%arg0: i32) -> (i32, i32) {
    %c0_i32 = arith.constant 0 : i32
    %c0_i32_0 = arith.constant 0 : i32
    return %arg0, %c0_i32 : i32, i32
  }
  func.func @transform_3(%arg0: i32) -> (i32, i32) {
    %c0_i32 = arith.constant 0 : i32
    %c0_i32_0 = arith.constant 0 : i32
    return %arg0, %c0_i32 : i32, i32
  }
  func.func @transform_4(%arg0: i32) -> (i32, i32) {
    %c0_i32 = arith.constant 0 : i32
    %c0_i32_0 = arith.constant 0 : i32
    return %arg0, %c0_i32 : i32, i32
  }
  func.func @transform_5(%arg0: i32) -> (i32, i32) {
    %c0_i32 = arith.constant 0 : i32
    %c0_i32_0 = arith.constant 0 : i32
    return %arg0, %c0_i32 : i32, i32
  }
  func.func @transform_6(%arg0: i32) -> (i32, i32) {
    %c0_i32 = arith.constant 0 : i32
    %c0_i32_0 = arith.constant 0 : i32
    %c0_i32_1 = arith.constant 0 : i32
    return %c0_i32, %c0_i32_0 : i32, i32
  }
  func.func @transform_7(%arg0: i32) -> (i32, i32) {
    %c0_i32 = arith.constant 0 : i32
    %c0_i32_0 = arith.constant 0 : i32
    %c0_i32_1 = arith.constant 0 : i32
    return %c0_i32, %c0_i32_0 : i32, i32
  }
  func.func @transform_8(%arg0: i32) -> (i32, i32) {
    %c0_i32 = arith.constant 0 : i32
    %c0_i32_0 = arith.constant 0 : i32
    %c0_i32_1 = arith.constant 0 : i32
    return %c0_i32, %c0_i32_0 : i32, i32
  }
  func.func @transform_9(%arg0: i32) -> (i32, i32) {
    %c0_i32 = arith.constant 0 : i32
    %c0_i32_0 = arith.constant 0 : i32
    %c0_i32_1 = arith.constant 0 : i32
    return %c0_i32, %c0_i32_0 : i32, i32
  }
  func.func @transform_10(%arg0: i32) -> (i32, i32) {
    %c0_i32 = arith.constant 0 : i32
    %c0_i32_0 = arith.constant 0 : i32
    %c0_i32_1 = arith.constant 0 : i32
    return %c0_i32, %c0_i32_0 : i32, i32
  }
  func.func @transform_11(%arg0: i32) -> (i32, i32) {
    %c0_i32 = arith.constant 0 : i32
    %c0_i32_0 = arith.constant 0 : i32
    %c0_i32_1 = arith.constant 0 : i32
    return %c0_i32, %c0_i32_0 : i32, i32
  }
  func.func @transform_12(%arg0: i32) -> (i32, i32) {
    %c0_i32 = arith.constant 0 : i32
    %c0_i32_0 = arith.constant 0 : i32
    %c0_i32_1 = arith.constant 0 : i32
    return %c0_i32, %c0_i32_0 : i32, i32
  }
  func.func @transform_13(%arg0: i32) -> (i32, i32) {
    %c0_i32 = arith.constant 0 : i32
    %c0_i32_0 = arith.constant 0 : i32
    %c0_i32_1 = arith.constant 0 : i32
    return %c0_i32, %c0_i32_0 : i32, i32
  }
  func.func @transform_14(%arg0: i32) -> (i32, i32) {
    %c0_i32 = arith.constant 0 : i32
    %c0_i32_0 = arith.constant 0 : i32
    %c0_i32_1 = arith.constant 0 : i32
    return %c0_i32, %c0_i32_0 : i32, i32
  }
  func.func @transform_15(%arg0: i32) -> (i32, i32) {
    %c0_i32 = arith.constant 0 : i32
    %c0_i32_0 = arith.constant 0 : i32
    %c0_i32_1 = arith.constant 0 : i32
    return %c0_i32, %c0_i32_0 : i32, i32
  }
  func.func @transform_16(%arg0: i32) -> (i32, i32) {
    %c0_i32 = arith.constant 0 : i32
    %c0_i32_0 = arith.constant 0 : i32
    %c0_i32_1 = arith.constant 0 : i32
    return %c0_i32, %c0_i32_0 : i32, i32
  }
  func.func @transform_17(%arg0: i32) -> (i32, i32) {
    %c0_i32 = arith.constant 0 : i32
    %c0_i32_0 = arith.constant 0 : i32
    %c0_i32_1 = arith.constant 0 : i32
    return %c0_i32, %c0_i32_0 : i32, i32
  }
  func.func @transform_18(%arg0: i32) -> (i32, i32) {
    %c0_i32 = arith.constant 0 : i32
    %c0_i32_0 = arith.constant 0 : i32
    return %arg0, %c0_i32 : i32, i32
  }
}

</mosaic_0001>

<sc_bundles>
// kernel: kernel.4.cloned.1.call-start
scs
__scs_entry_jumppad:
0x0: {  	(pc) =	sbr.rel $0x88, $3  }
0x1: {  	(tag) =	ssettag $0x0;
	lr =	simm.s32 $0x1  }
0x2: {  	[smem:$0x3F91] =	sst lr;
	_ =	strace $0xD0000000  }
0x3: {  	_ = 	snop  }
0x4: {  	_ = 	snop  }
0x5: {  	_ = 	snop  }
0x6: {  	_ = 	snop  }
0x7: {  	_ = 	snop  }
__scs_overlays_trampoline_lowered:
0x8: {  	[smem:$0x3FA0] =	sst s0  }
0x9: {  	[smem:$0x3FA1] =	sst s1  }
0xa: {  	[smem:$0x3FA2] =	sst s2  }
0xb: {  	[smem:$0x3FA3] =	sst s3  }
0xc: {  	[smem:$0x3FA4] =	sst s4  }
0xd: {  	[smem:$0x3FA5] =	sst s5  }
0xe: {  	[smem:$0x3FA6] =	sst s6  }
0xf: {  	[smem:$0x3FA7] =	sst s7  }
0x10: {  	[smem:$0x3FA8] =	sst s8  }
0x11: {  	[smem:$0x3FA9] =	sst s9;
	s0 =	simm.s32 @!p0 $0x0  }
0x12: {  	s1 =	sld [smem:$0x3F8F];
	s0 =	simm.s32 @p0 $0x1  }
0x13: {  	[smem:$0x3FAA] =	sst s0;
	s0 =	simm.s32 @!p1 $0x0  }
0x14: {  	s2 =	sld [smem:$0x3F8E];
	s0 =	simm.s32 @p1 $0x1  }
0x15: {  	[smem:$0x3FAB] =	sst s0;
	s0 =	simm.s32 @!p2 $0x0  }
0x16: {  	s3 =	sld [smem:$0x3FDB];
	s0 =	simm.s32 @p2 $0x1  }
0x17: {  	s4 =	simm.s32 $0x1BF5;
	[smem:$0x3FAD] =	sst s0  }
0x18: {  	s0 =	sld [smem:$0x3F90];
	_ =	swait.ge [sflag:s4], $0x0  }
0x19: {  	s7 =	sld [smem:$0x3F91]  }
0x1a: {  	s8 =	sadd.s32 $0xFFFFE003, lr  }
0x1b: {  	s9 =	sadd.s32 $0xFFFFFEF7, lr;
	s5 =	simm.s32 $0xFFFFFFFF;
	p2 =	slt.u32 s8, $0xFFFFF086  }
0x1c: {  	p1 =	slt.u32 s9, $0xF7A;
	s5 =	simm.s32 @!p2 $0x0  }
0x1d: {  	s5 =	simm.s32 @p1 $0x1;
	p0 =	seq.s32 s7, s2  }
0x1e: {  	s7 =	smul.u32 @!p0 $0xF7A, s2;
	p2 =	seq.s32 @!p0 s5, $0x0  }
0x1f: {  	s9 =	smul.u32 $0xF7A, s1;
	s8 =	simm.s32 @!p0 $0x1BF5;
	p2 =	por !p2, p0  }
0x20: {  	[sflag:s8] =	ssyncset.s32 @!p0 $0xFFFFF086;
	s6 =	sadd.s32 @!p0 s3, s7;
	s7 =	simm.s32 @!p0 $0x108  }
0x21: {  	s3 =	sadd.s32 s3, s9;
	s6 =	sadd.s32 @!p0 $0x88, s6;
	s7 =	simm.s32 @p2 $0x1082  }
0x22: {  	[simem:s7], [sflag:s8] =	dma.local @!p0 [hbm:s6], $0xF7A  }
0x23: {  	s9 =	sor.u32 $0xD0000000, s2;
	s6 =	simm.s32 $0x108;
	_ =	swait.ge @!p0 [sflag:s8], $0x0  }
0x24: {  	s3 =	sadd.s32 $0x88, s3;
	s6 =	simm.s32 @!p1 $0x1082;
	[sflag:s4] =	ssyncset.s32 $0xFFFFF086  }
0x25: {  	[simem:s6], [sflag:s4] =	dma.local [hbm:s3], $0xF7A  }
0x26: {  	[smem:$0x3F91] =	sst s1;
	(tag) =	ssettag s2;
	_ =	strace s9  }
0x27: {  	s1 =	sld [smem:$0x3FA1]  }
0x28: {  	s2 =	sld [smem:$0x3FA2]  }
0x29: {  	s4 =	sld [smem:$0x3FA4]  }
0x2a: {  	p0 =	seq.s32 s5, $0x0;
	s5 =	sld [smem:$0x3FA5]  }
0x2b: {  	s6 =	sld [smem:$0x3FA6]  }
0x2c: {  	s7 =	sld [smem:$0x3FA7]  }
0x2d: {  	s3 =	simm.s32 $0x108;
	s8 =	sld [smem:$0x3FA8]  }
0x2e: {  	s3 =	simm.s32 @!p0 $0x1082;
	s9 =	sld [smem:$0x3FA9]  }
0x2f: {  	lr =	sadd.s32 s0, s3;
	s0 =	sld [smem:$0x3FA0]  }
0x30: {  	s3 =	sld [smem:$0x3FA3]  }
0x31: {  	[smem:$0x3FAC] =	sst s10  }
0x32: {  	s10 =	sld [smem:$0x3FAA];
	_ =	sdelay $0x3  }
0x33: {  	p0 =	seq.s32 s10, $0x1;
	s10 =	sld [smem:$0x3FAC];
	_ =	sdelay $0x3  }
0x34: {  	[smem:$0x3FAC] =	sst s10  }
0x35: {  	s10 =	sld [smem:$0x3FAB];
	_ =	sdelay $0x3  }
0x36: {  	p1 =	seq.s32 s10, $0x1;
	s10 =	sld [smem:$0x3FAC];
	_ =	sdelay $0x3  }
0x37: {  	[smem:$0x3FAC] =	sst s10  }
0x38: {  	s10 =	sld [smem:$0x3FAD]  }
0x39: {  	_ = 	snop;
	(pc) =	sbr.ind lr, $3  }
0x3a: {  	_ = 	snop  }
0x3b: {  	_ = 	snop  }
0x3c: {  	p2 =	seq.s32 s10, $0x1;
	s10 =	sld [smem:$0x3FAC]  }
0x3d: {  	_ =	shalt  }
0x3e: {  	_ =	shalt  }
0x3f: {  	_ =	shalt  }
0x40: {  	_ =	shalt  }
0x41: {  	_ =	shalt  }
0x42: {  	_ =	shalt  }
0x43: {  	_ =	shalt  }
0x44: {  	_ =	shalt  }
0x45: {  	_ =	shalt  }
0x46: {  	_ =	shalt  }
0x47: {  	_ =	shalt  }
0x48: {  	_ =	shalt  }
0x49: {  	_ =	shalt  }
0x4a: {  	_ =	shalt  }
0x4b: {  	_ =	shalt  }
0x4c: {  	_ =	shalt  }
0x4d: {  	_ =	shalt  }
0x4e: {  	_ =	shalt  }
0x4f: {  	_ =	shalt  }
0x50: {  	_ =	shalt  }
0x51: {  	_ =	shalt  }
0x52: {  	_ =	shalt  }
0x53: {  	_ =	shalt  }
0x54: {  	_ =	shalt  }
0x55: {  	_ =	shalt  }
0x56: {  	_ =	shalt  }
0x57: {  	_ =	shalt  }
0x58: {  	_ =	shalt  }
0x59: {  	_ =	shalt  }
0x5a: {  	_ =	shalt  }
0x5b: {  	_ =	shalt  }
0x5c: {  	_ =	shalt  }
0x5d: {  	_ =	shalt  }
0x5e: {  	_ =	shalt  }
0x5f: {  	_ =	shalt  }
0x60: {  	_ =	shalt  }
0x61: {  	_ =	shalt  }
0x62: {  	_ =	shalt  }
0x63: {  	_ =	shalt  }
0x64: {  	_ =	shalt  }
0x65: {  	_ =	shalt  }
0x66: {  	_ =	shalt  }
0x67: {  	_ =	shalt  }
0x68: {  	_ =	shalt  }
0x69: {  	_ =	shalt  }
0x6a: {  	_ =	shalt  }
0x6b: {  	_ =	shalt  }
0x6c: {  	_ =	shalt  }
0x6d: {  	_ =	shalt  }
0x6e: {  	_ =	shalt  }
0x6f: {  	_ =	shalt  }
0x70: {  	_ =	shalt  }
0x71: {  	_ =	shalt  }
0x72: {  	_ =	shalt  }
0x73: {  	_ =	shalt  }
0x74: {  	_ =	shalt  }
0x75: {  	_ =	shalt  }
0x76: {  	_ =	shalt  }
0x77: {  	_ =	shalt  }
0x78: {  	_ =	shalt  }
0x79: {  	_ =	shalt  }
0x7a: {  	_ =	shalt  }
0x7b: {  	_ =	shalt  }
0x7c: {  	_ =	shalt  }
0x7d: {  	_ =	shalt  }
0x7e: {  	_ =	shalt  }
0x7f: {  	_ =	shalt  }
0x80: {  	_ =	shalt  }
0x81: {  	_ =	shalt  }
0x82: {  	_ =	shalt  }
0x83: {  	_ =	shalt  }
0x84: {  	_ =	shalt  }
0x85: {  	_ =	shalt  }
0x86: {  	_ =	shalt  }
0x87: {  	_ =	shalt  }
.Lfunc_end0:
.L_simem_size_0:
called_computation_lowered:
.L_overlay_start_0:
0x88: {  	s2 =	sld [smem:$0x3FD9]  }
0x89: {  	s3 =	sld [smem:$0x3FFE];
	_ =	sdelay $0x1  }
0x8a: {  	s1 =	srdreg.scid  }
0x8b: {  	s0 =	sand.u32 $0x1, s1  }
0x8c: {  	s16 =	sshll.u32 s0, $0xA;
	s2 =	sadd.s32 s3, s2  }
0x8d: {  	s2 =	sadd.s32 s2, s16  }
0x8e: {  	[smem:$0x3FB8] =	sst s2  }
0x8f: {  	_ = 	snop  }
0x90: {  	(tm) =	ssettm $0x1  }
0x91: {  	s17 =	sld [smem:$0x3FFB];
	_ =	sdelay $0x3  }
0x92: {  	_ =	strace s17  }
0x93: {  	s2 =	sld [smem:$0x3FFC];
	_ =	sdelay $0x3  }
0x94: {  	_ =	strace s2  }
0x95: {  	s2 =	sld [smem:$0x3FFD];
	_ =	sdelay $0x3  }
0x96: {  	_ =	strace s2  }
0x97: {  	_ =	strace $0x8FFFFFFF  }
0x98: {  	s18 =	sld [smem:$0x3FDB];
	_ =	sdelay $0x1  }
0x99: {  	s19 =	simm.s32 $_scs_section_size  }
0x9a: {  	s4 =	simm.s32 $_size__tile_overlayer_lowered;
	s5 =	simm.s32 $_tile_overlayer_lowered  }
0x9b: {  	s22 =	simm.s32 $0x1BFF;
	s21 =	sshll.u32 s5, $0x1;
	s2 =	sadd.s32 s19, s18  }
0x9c: {  	s6 =	simm.s32 $0x0;
	s20 =	sshll.u32 s4, $0x1;
	s4 =	sadd.s32 s21, s2  }
0x9d: {  	[timem:s6], [sflag:s22] =	dma.local [hbm:s4], s20  }
0x9e: {  	_ =	swait.ge [sflag:s22], s20  }
0x9f: {  	s3 =	ssub.s32 $0x0, s20;
	[sflag:s22] =	ssyncset.done $0x0  }
0xa0: {  	[sflag:s22] =	ssyncadd.s32 s3;
	_ =	sdelay $0x1  }
0xa1: {  	s23 =	simm.s32 $0x1B8B  }
0xa2: {  	_ =	swait.ge [sflag:s23], $0x1  }
0xa3: {  	[sflag:s23] =	ssyncset.done $0x0  }
0xa4: {  	s25 =	simm.s32 $0x1B8E;
	s24 =	sld [smem:$0x3FFE];
	[sflag:s23] =	ssyncadd.s32 $0xFFFFFFFF  }
0xa5: {  	s26 =	simm.s32 $execute0_lowered;
	[smem:$0x3FD2] =	sst s25  }
0xa6: {  	s4 =	sshll.u32 s26, $0x1;
	_ =	strace $0x80000046;
	[dreg:$0x1] =	wrdreg $0xFFFFFFFF  }
0xa7: {  	s28 =	simm.s32 $_size_execute0_lowered;
	s2 =	sadd.s32 s2, s4;
	[dreg:$0x0] =	wrdreg $0x0  }
0xa8: {  	s4 =	sshll.u32 s28, $0x1;
	[dreg:$0x2] =	wrdreg s2  }
0xa9: {  	[dreg:$0x3] =	wrdreg s4  }
0xaa: {  	[dreg:$0x4] =	wrdreg $0xC0  }
0xab: {  	_ =	task [dreg:s6], $0x5FFFF  }
0xac: {  	[dreg:$0x1] =	wrdreg $0xFFFFFFFF  }
0xad: {  	[dreg:$0x0] =	wrdreg $0x60  }
0xae: {  	[dreg:$0x2] =	wrdreg s24  }
0xaf: {  	[dreg:$0x3] =	wrdreg $0x9  }
0xb0: {  	_ =	task.clear_ibuf [dreg:s6], $0x4FFFF;
	_ =	strace $0x90000046  }
0xb1: {  	s29 =	simm.s32 $0x9;
	_ =	strace $0x80000048  }
0xb2: {  	_ =	swait.ge [sflag:s29], $0x1  }
0xb3: {  	[sflag:s29] =	ssyncadd.s32 $0xFFFFFFFF  }
0xb4: {  	_ =	strace $0x90000048  }
0xb5: {  	_ =	sfence  }
0xb6: {  	s30 =	sld [smem:$0x0];
	_ =	sdelay $0x2  }
0xb7: {  	s31 =	sshll.u32 s1, $0xD;
	s1 =	sshrl.u32 s1, $0x2  }
0xb8: {  	s3 =	sand.u32 $0x4000, s31;
	s1 =	sadd.s32 s1, s30  }
0xb9: {  	s0 =	sor.u32 s3, s0;
	s1 =	sshll.u32 s1, $0x11  }
0xba: {  	s0 =	sor.u32 s1, s0  }
0xbb: {  	s0 =	sadd.s32 $0x8F2B, s0  }
0xbc: {  	[sflag:s0] =	ssyncadd.remote.s32 $0x1  }
0xbd: {  	_ =	sfence.sel $0xFFFF  }
0xbe: {  	[dreg:$0x0] =	wrdreg $0xFFFFFFFF;
	(pc) =	sbr.abs _section_cstart, $3  }
0xbf: {  	[dreg:$0x1] =	wrdreg $0xFFFFFFFF  }
0xc0: {  	_ =	task.clear_ibuf [dreg:s6], $0x2FFFF;
	_ =	strace $0x9FFFFFFF  }
0xc1: {  	(tm) =	ssettm $0x7FFFFFFF  }
tec
execute0_lowered:
.L_overlay_start_1:
0x0: {  	(tag) =	ssettag $0x1  }
0x1: {  	s1 =	srdreg.scid  }
0x2: {  	s0 =	stileid.u32;
	s25 =	sand.u32 $0x1, s1  }
0x3: {  	s30 =	sshll.u32 s0, $0xA;
	s2 =	sshll.u32 s25, $0x9  }
0x4: {  	s24 =	rddreg [dreg:$0x0];
	s16 =	sor.u32 s2, s30  }
0x5: {  	s1 =	rddreg [dreg:$0x1];
	s2 =	simm.s32 $0x0;
	s3 =	sshrl.u32 s16, $0x3  }
0x6: {  	[smem:$0x7FF] =	sst s2;
	s5 =	sadd.s32 s3, s24  }
0x7: {  	_ =	strace $0x80000047;
	s3 =	simm.s32 $0x2;
	s4 =	sadd.s32 $0xF46600, s5  }
0x8: {  	[tilespmem:s2], [sflag:$0x2] =	stream.linear.gather [hbm4b:s4+s2], $0x200, $0x38;
	[tilespmem:$0x10400] =	vst v63  }
0x9: {  	_ =	swait.ge [sflag:s3], $0x200  }
0xa: {  	[sflag:s3] =	ssyncset.done $0x0  }
0xb: {  	s6 =	simm.s32 $0x200;
	s5 =	sadd.s32 $0xF45E00, s5;
	[sflag:s3] =	ssyncadd.s32 $0xFFFFFE00  }
0xc: {  	[tilespmem:s6], [sflag:$0x2] =	stream.linear.gather [hbm4b:s5+s2], $0x200, $0x38;
	[tilespmem:$0x10400] =	vst v63  }
0xd: {  	_ =	swait.ge [sflag:s3], $0x200  }
0xe: {  	s8 =	simm.s32 $0x80;
	[sflag:s3] =	ssyncset.done $0x0  }
0xf: {  	s9 =	simm.s32 $0x400;
	s7 =	sadd.s32 $0x2E00, s24;
	[sflag:s3] =	ssyncadd.s32 $0xFFFFFE00  }
0x10: {  	[tilespmem:s9], [sflag:$0x1] =	stream.indirect.gather [hbm4b:s7+s8], $0x80, s2, s8, $0xb8;
	[tilespmem:$0x10400] =	vst v63  }
0x11: {  	s10 =	simm.s32 $0x4400  }
0x12: {  	[tilespmem:s10], [sflag:$0x1] =	stream.indirect.gather [hbm4b:s7+s8], $0x80, s8, s8, $0xb8;
	[tilespmem:$0x10400] =	vst v63  }
0x13: {  	s11 =	simm.s32 $0x100;
	s12 =	simm.s32 $0x8400  }
0x14: {  	[tilespmem:s12], [sflag:$0x1] =	stream.indirect.gather [hbm4b:s7+s8], $0x80, s11, s8, $0xb8;
	[tilespmem:$0x10400] =	vst v63  }
0x15: {  	s13 =	simm.s32 $0x180;
	s14 =	simm.s32 $0xC400;
	s15 =	simm.s32 $0x1  }
0x16: {  	[tilespmem:s14], [sflag:$0x1] =	stream.indirect.gather [hbm4b:s7+s8], $0x80, s13, s8, $0xb8;
	[tilespmem:$0x10400] =	vst v63  }
0x17: {  	s16 =	sshll.u32 s16, $0x4;
	_ =	swait.ge [sflag:s15], $0x10000  }
0x18: {  	s26 =	sadd.s32 s16, s24;
	[sflag:s15] =	ssyncset.done $0x0  }
0x19: {  	s16 =	sadd.s32 $0xF46E00, s26;
	[sflag:s15] =	ssyncadd.s32 $0xFFFF0000  }
0x1a: {  	[hbm4b:s16+s2] =	stream.linear.scatter [tilespmem:s9], [sflag:$0x2], $0x10000, $0x38;
	[tilespmem:$0x10400] =	vst v63  }
0x1b: {  	_ =	swait.ge [sflag:s3], $0x10000  }
0x1c: {  	[sflag:s3] =	ssyncset.done $0x0  }
0x1d: {  	s17 =	sadd.s32 $0x3D3800, s24;
	[sflag:s3] =	ssyncadd.s32 $0xFFFF0000  }
0x1e: {  	[tilespmem:s9], [sflag:$0x1] =	stream.indirect.gather [hbm4b:s17+s8], $0x80, s6, s8, $0xb8;
	[tilespmem:$0x10400] =	vst v63  }
0x1f: {  	s18 =	simm.s32 $0x280  }
0x20: {  	[tilespmem:s10], [sflag:$0x1] =	stream.indirect.gather [hbm4b:s17+s8], $0x80, s18, s8, $0xb8;
	[tilespmem:$0x10400] =	vst v63  }
0x21: {  	s19 =	simm.s32 $0x300  }
0x22: {  	[tilespmem:s12], [sflag:$0x1] =	stream.indirect.gather [hbm4b:s17+s8], $0x80, s19, s8, $0xb8;
	[tilespmem:$0x10400] =	vst v63  }
0x23: {  	s20 =	simm.s32 $0x380  }
0x24: {  	[tilespmem:s14], [sflag:$0x1] =	stream.indirect.gather [hbm4b:s17+s8], $0x80, s20, s8, $0xb8;
	[tilespmem:$0x10400] =	vst v63  }
0x25: {  	_ =	swait.ge [sflag:s15], $0x10000  }
0x26: {  	[sflag:s15] =	ssyncset.done $0x0  }
0x27: {  	s21 =	sadd.s32 $0xF86E00, s26;
	[sflag:s15] =	ssyncadd.s32 $0xFFFF0000  }
0x28: {  	[hbm4b:s21+s2] =	stream.linear.scatter [tilespmem:s9], [sflag:$0x2], $0x10000, $0x38;
	[tilespmem:$0x10400] =	vst v63  }
0x29: {  	_ =	swait.ge [sflag:s3], $0x10000  }
0x2a: {  	[sflag:s3] =	ssyncset.done $0x0  }
0x2b: {  	s22 =	sadd.s32 $0x7A4200, s24;
	[sflag:s3] =	ssyncadd.s32 $0xFFFF0000  }
0x2c: {  	[tilespmem:s9], [sflag:$0x1] =	stream.indirect.gather [hbm4b:s22+s8], $0x80, s2, s8, $0xb8;
	[tilespmem:$0x10400] =	vst v63  }
0x2d: {  	_ = 	snop  }
0x2e: {  	[tilespmem:s10], [sflag:$0x1] =	stream.indirect.gather [hbm4b:s22+s8], $0x80, s8, s8, $0xb8;
	[tilespmem:$0x10400] =	vst v63  }
0x2f: {  	_ = 	snop  }
0x30: {  	[tilespmem:s12], [sflag:$0x1] =	stream.indirect.gather [hbm4b:s22+s8], $0x80, s11, s8, $0xb8;
	[tilespmem:$0x10400] =	vst v63  }
0x31: {  	_ = 	snop  }
0x32: {  	[tilespmem:s14], [sflag:$0x1] =	stream.indirect.gather [hbm4b:s22+s8], $0x80, s13, s8, $0xb8;
	[tilespmem:$0x10400] =	vst v63  }
0x33: {  	_ =	swait.ge [sflag:s15], $0x10000  }
0x34: {  	[sflag:s15] =	ssyncset.done $0x0  }
0x35: {  	s23 =	sadd.s32 $0xFC6E00, s26;
	[sflag:s15] =	ssyncadd.s32 $0xFFFF0000  }
0x36: {  	[hbm4b:s23+s2] =	stream.linear.scatter [tilespmem:s9], [sflag:$0x2], $0x10000, $0x38;
	[tilespmem:$0x10400] =	vst v63  }
0x37: {  	_ =	swait.ge [sflag:s3], $0x10000  }
0x38: {  	[sflag:s3] =	ssyncset.done $0x0  }
0x39: {  	s25 =	ssub.s32 $0x2, s25;
	s24 =	sadd.s32 $0xB74C00, s24;
	[sflag:s3] =	ssyncadd.s32 $0xFFFF0000  }
0x3a: {  	[tilespmem:s9], [sflag:$0x1] =	stream.indirect.gather [hbm4b:s24+s8], $0x80, s6, s8, $0xb8;
	[tilespmem:$0x10400] =	vst v63  }
0x3b: {  	s28 =	sshrl.u32 s25, $0x1  }
0x3c: {  	[tilespmem:s10], [sflag:$0x1] =	stream.indirect.gather [hbm4b:s24+s8], $0x80, s18, s8, $0xb8;
	[tilespmem:$0x10400] =	vst v63  }
0x3d: {  	s28 =	ssub.s32 s25, s28  }
0x3e: {  	[tilespmem:s12], [sflag:$0x1] =	stream.indirect.gather [hbm4b:s24+s8], $0x80, s19, s8, $0xb8;
	[tilespmem:$0x10400] =	vst v63  }
0x3f: {  	s31 =	smax.u32 s28, $0x1  }
0x40: {  	[tilespmem:s14], [sflag:$0x1] =	stream.indirect.gather [hbm4b:s24+s8], $0x80, s20, s8, $0xb8;
	[tilespmem:$0x10400] =	vst v63  }
0x41: {  	p0 =	sne.s32 s31, $0x1;
	_ =	swait.ge [sflag:s15], $0x10000  }
.Ltmp0:
0x42: {  	[sflag:s15] =	ssyncset.done $0x0;
	(pc) =	sbr.rel @!p0 .LBB2_2-.Ltmp0, $4  }
0x43: {  	s25 =	sadd.s32 $0x1006E00, s26;
	[sflag:s15] =	ssyncadd.s32 $0xFFFF0000  }
0x44: {  	[hbm4b:s25+s2] =	stream.linear.scatter [tilespmem:s9], [sflag:$0x2], $0x10000, $0x38;
	[tilespmem:$0x10400] =	vst v63  }
0x45: {  	_ =	swait.ge [sflag:s3], $0x10000  }
0x46: {  	s26 =	sadd.s32 $0xFFFFFFFF, s31;
	[sflag:s3] =	ssyncset.done $0x0  }
.LBB2_1:
0x47: {  	p0 =	sne.s32 s26, $0x1;
	s26 =	sadd.s32 $0xFFFFFFFF, s26;
	[sflag:s3] =	ssyncadd.s32 $0xFFFF0000  }
0x48: {  	[tilespmem:s2], [sflag:$0x2] =	stream.linear.gather [hbm4b:s4+s2], $0x200, $0x38;
	[tilespmem:$0x10400] =	vst v63  }
0x49: {  	_ =	swait.ge [sflag:s3], $0x200  }
0x4a: {  	[sflag:s3] =	ssyncset.done $0x0  }
0x4b: {  	[sflag:s3] =	ssyncadd.s32 $0xFFFFFE00  }
0x4c: {  	[tilespmem:s6], [sflag:$0x2] =	stream.linear.gather [hbm4b:s5+s2], $0x200, $0x38;
	[tilespmem:$0x10400] =	vst v63  }
0x4d: {  	_ =	swait.ge [sflag:s3], $0x200  }
0x4e: {  	[sflag:s3] =	ssyncset.done $0x0  }
0x4f: {  	[sflag:s3] =	ssyncadd.s32 $0xFFFFFE00  }
0x50: {  	[tilespmem:s9], [sflag:$0x1] =	stream.indirect.gather [hbm4b:s7+s8], $0x80, s2, s8, $0xb8;
	[tilespmem:$0x10400] =	vst v63  }
0x51: {  	_ = 	snop  }
0x52: {  	[tilespmem:s10], [sflag:$0x1] =	stream.indirect.gather [hbm4b:s7+s8], $0x80, s8, s8, $0xb8;
	[tilespmem:$0x10400] =	vst v63  }
0x53: {  	_ = 	snop  }
0x54: {  	[tilespmem:s12], [sflag:$0x1] =	stream.indirect.gather [hbm4b:s7+s8], $0x80, s11, s8, $0xb8;
	[tilespmem:$0x10400] =	vst v63  }
0x55: {  	_ = 	snop  }
0x56: {  	[tilespmem:s14], [sflag:$0x1] =	stream.indirect.gather [hbm4b:s7+s8], $0x80, s13, s8, $0xb8;
	[tilespmem:$0x10400] =	vst v63  }
0x57: {  	_ =	swait.ge [sflag:s15], $0x10000  }
0x58: {  	[sflag:s15] =	ssyncset.done $0x0  }
0x59: {  	[sflag:s15] =	ssyncadd.s32 $0xFFFF0000  }
0x5a: {  	[hbm4b:s16+s2] =	stream.linear.scatter [tilespmem:s9], [sflag:$0x2], $0x10000, $0x38;
	[tilespmem:$0x10400] =	vst v63  }
0x5b: {  	_ =	swait.ge [sflag:s3], $0x10000  }
0x5c: {  	[sflag:s3] =	ssyncset.done $0x0  }
0x5d: {  	[sflag:s3] =	ssyncadd.s32 $0xFFFF0000  }
0x5e: {  	[tilespmem:s9], [sflag:$0x1] =	stream.indirect.gather [hbm4b:s17+s8], $0x80, s6, s8, $0xb8;
	[tilespmem:$0x10400] =	vst v63  }
0x5f: {  	_ = 	snop  }
0x60: {  	[tilespmem:s10], [sflag:$0x1] =	stream.indirect.gather [hbm4b:s17+s8], $0x80, s18, s8, $0xb8;
	[tilespmem:$0x10400] =	vst v63  }
0x61: {  	_ = 	snop  }
0x62: {  	[tilespmem:s12], [sflag:$0x1] =	stream.indirect.gather [hbm4b:s17+s8], $0x80, s19, s8, $0xb8;
	[tilespmem:$0x10400] =	vst v63  }
0x63: {  	_ = 	snop  }
0x64: {  	[tilespmem:s14], [sflag:$0x1] =	stream.indirect.gather [hbm4b:s17+s8], $0x80, s20, s8, $0xb8;
	[tilespmem:$0x10400] =	vst v63  }
0x65: {  	_ =	swait.ge [sflag:s15], $0x10000  }
0x66: {  	[sflag:s15] =	ssyncset.done $0x0  }
0x67: {  	[sflag:s15] =	ssyncadd.s32 $0xFFFF0000  }
0x68: {  	[hbm4b:s21+s2] =	stream.linear.scatter [tilespmem:s9], [sflag:$0x2], $0x10000, $0x38;
	[tilespmem:$0x10400] =	vst v63  }
0x69: {  	_ =	swait.ge [sflag:s3], $0x10000  }
0x6a: {  	[sflag:s3] =	ssyncset.done $0x0  }
0x6b: {  	[sflag:s3] =	ssyncadd.s32 $0xFFFF0000  }
0x6c: {  	[tilespmem:s9], [sflag:$0x1] =	stream.indirect.gather [hbm4b:s22+s8], $0x80, s2, s8, $0xb8;
	[tilespmem:$0x10400] =	vst v63  }
0x6d: {  	_ = 	snop  }
0x6e: {  	[tilespmem:s10], [sflag:$0x1] =	stream.indirect.gather [hbm4b:s22+s8], $0x80, s8, s8, $0xb8;
	[tilespmem:$0x10400] =	vst v63  }
0x6f: {  	_ = 	snop  }
0x70: {  	[tilespmem:s12], [sflag:$0x1] =	stream.indirect.gather [hbm4b:s22+s8], $0x80, s11, s8, $0xb8;
	[tilespmem:$0x10400] =	vst v63  }
0x71: {  	_ = 	snop  }
0x72: {  	[tilespmem:s14], [sflag:$0x1] =	stream.indirect.gather [hbm4b:s22+s8], $0x80, s13, s8, $0xb8;
	[tilespmem:$0x10400] =	vst v63  }
0x73: {  	_ =	swait.ge [sflag:s15], $0x10000  }
0x74: {  	[sflag:s15] =	ssyncset.done $0x0  }
0x75: {  	[sflag:s15] =	ssyncadd.s32 $0xFFFF0000  }
0x76: {  	[hbm4b:s23+s2] =	stream.linear.scatter [tilespmem:s9], [sflag:$0x2], $0x10000, $0x38;
	[tilespmem:$0x10400] =	vst v63  }
0x77: {  	_ =	swait.ge [sflag:s3], $0x10000  }
0x78: {  	[sflag:s3] =	ssyncset.done $0x0  }
0x79: {  	[sflag:s3] =	ssyncadd.s32 $0xFFFF0000  }
0x7a: {  	[tilespmem:s9], [sflag:$0x1] =	stream.indirect.gather [hbm4b:s24+s8], $0x80, s6, s8, $0xb8;
	[tilespmem:$0x10400] =	vst v63  }
0x7b: {  	_ = 	snop  }
0x7c: {  	[tilespmem:s10], [sflag:$0x1] =	stream.indirect.gather [hbm4b:s24+s8], $0x80, s18, s8, $0xb8;
	[tilespmem:$0x10400] =	vst v63  }
0x7d: {  	_ = 	snop  }
0x7e: {  	[tilespmem:s12], [sflag:$0x1] =	stream.indirect.gather [hbm4b:s24+s8], $0x80, s19, s8, $0xb8;
	[tilespmem:$0x10400] =	vst v63  }
0x7f: {  	_ = 	snop  }
0x80: {  	[tilespmem:s14], [sflag:$0x1] =	stream.indirect.gather [hbm4b:s24+s8], $0x80, s20, s8, $0xb8;
	[tilespmem:$0x10400] =	vst v63  }
0x81: {  	_ =	swait.ge [sflag:s15], $0x10000  }
.Ltmp1:
0x82: {  	[sflag:s15] =	ssyncset.done $0x0;
	(pc) =	sbr.rel @p0 .LBB2_1-.Ltmp1, $4  }
0x83: {  	[sflag:s15] =	ssyncadd.s32 $0xFFFF0000  }
0x84: {  	[hbm4b:s25+s2] =	stream.linear.scatter [tilespmem:s9], [sflag:$0x2], $0x10000, $0x38;
	[tilespmem:$0x10400] =	vst v63  }
0x85: {  	_ =	swait.ge [sflag:s3], $0x10000  }
0x86: {  	[sflag:s3] =	ssyncset.done $0x0  }
.LBB2_2:
0x87: {  	[sflag:s3] =	ssyncadd.s32 $0xFFFF0000  }
0x88: {  	_ =	sfence.sel $0x180000  }
0x89: {  	[bflag:$0x0] =	sbarrier.arrive $0xFFFF  }
0x8a: {  	p0 =	sne.s32 s0, $0x0;
	_ =	strace $0x90000047  }
0x8b: {  	s0 =	sadd.s32 @!p0 $0x100000, s1;
	[bflag:$0x2] =	sbarrier.arrive $0xFFFF  }
0x8c: {  	[sflag:s0] =	ssyncadd.tile.s32 @!p0 $0x1;
	_ =	shalt  }
.Lfunc_end2:
_tile_overlayer_lowered:
.L_overlay_start_2:
0x8d: {  	(tag) =	ssettag $0x2  }
0x8e: {  	s0 =	rddreg [dreg:$0x0];
	s2 =	stileid.u32  }
0x8f: {  	s1 =	rddreg [dreg:$0x1];
	p0 =	sne.s32 s2, $0x0  }
0x90: {  	s3 =	rddreg [dreg:$0x2];
	[bflag:$0x3] =	sbarrier.arrive $0xFFFF;
	s2 =	simm.s32 @!p0 $0x1C02  }
0x91: {  	[timem:s3], [sflag:s2] =	dma.local @!p0 [hbm:s0], s1  }
0x92: {  	s0 =	simm.s32 @!p0 $0x2  }
0x93: {  	_ =	swait.ge @!p0 [sflag:s0], s1  }
0x94: {  	s1 =	ssub.s32 @!p0 $0x0, s1;
	[sflag:s0] =	ssyncset.done @!p0 $0x0  }
0x95: {  	[sflag:s0] =	ssyncadd.s32 @!p0 s1  }
0x96: {  	[bflag:$0x3] =	sbarrier.arrive $0xFFFF  }
0x97: {  	_ =	shalt  }

</sc_bundles>
